<compile_context>
chip_gen: v7x
topology: tpu7x:2x2x1
jax: 0.10.2.dev20260603
libtpu: 0.0.44.dev20260713+nightly
codegen_flags: <defaults>
</compile_context>

<pallas_src>
import functools

import jax
import jax.numpy as jnp
from jax import lax
from jax.experimental import pallas as pl
from jax.experimental.pallas import tpu as pltpu
from jax.experimental.pallas import tpu_sc as plsc

N = 10000
E = 320000
DIN = 128
H = 128
DOUT = 10
G = 64

NC = 2
NS = 16
NW = NC * NS
CHUNK = 80
ROWS_A = 624
ROWS_LAST = N - (NS - 1) * ROWS_A
EPT = E // NW
EPT_DEG = E // NS

_mesh = plsc.VectorSubcoreMesh(core_axis_name="c", subcore_axis_name="s")


@functools.partial(
    pl.kernel,
    out_type=jax.ShapeDtypeStruct((N,), jnp.float32),
    mesh=_mesh,
    scratch_types=[
        pltpu.VMEM((CHUNK,), jnp.int32),
        pltpu.VMEM((CHUNK,), jnp.float32),
        pltpu.VMEM_SHARED((N,), jnp.float32),
    ],
)
def _deg_sc(dst_hbm, zeros_hbm, out_hbm, idx_v, ones_v, acc):
    c = lax.axis_index("c")
    s = lax.axis_index("s")
    for j in range(CHUNK // 16):
        ones_v[pl.ds(j * 16, 16)] = jnp.full((16,), 1.0, jnp.float32)

    @pl.when(jnp.logical_and(c == 0, s == 0))
    def _():
        pltpu.sync_copy(zeros_hbm, acc)

    plsc.subcore_barrier()

    @pl.when(c == 0)
    def _():
        base = s * EPT_DEG

        def body(i, carry):
            off = base + i * CHUNK
            pltpu.sync_copy(dst_hbm.at[pl.ds(off, CHUNK)], idx_v)
            pltpu.sync_copy(ones_v, acc.at[idx_v], add=True)
            return carry

        lax.fori_loop(0, EPT_DEG // CHUNK, body, 0)

    plsc.subcore_barrier()

    @pl.when(jnp.logical_and(c == 0, s == 0))
    def _():
        pltpu.sync_copy(acc, out_hbm)


@functools.partial(
    pl.kernel,
    out_type=jax.ShapeDtypeStruct((NC, N, H), jnp.float32),
    mesh=_mesh,
    scratch_types=[
        pltpu.VMEM((CHUNK,), jnp.int32),
        pltpu.VMEM((CHUNK,), jnp.int32),
        pltpu.VMEM((CHUNK, H), jnp.float32),
        pltpu.VMEM_SHARED((N, H), jnp.float32),
        pltpu.SemaphoreType.DMA,
    ],
)
def _agg_sc(hs_hbm, src_hbm, dst_hbm, zeros_hbm, out_hbm,
            sidx, didx, rows, acc, sem):
    c = lax.axis_index("c")
    s = lax.axis_index("s")
    rbase = s * ROWS_A

    @pl.when(s < NS - 1)
    def _():
        pltpu.sync_copy(zeros_hbm.at[pl.ds(0, ROWS_A)],
                        acc.at[pl.ds(rbase, ROWS_A)])

    @pl.when(s == NS - 1)
    def _():
        pltpu.sync_copy(zeros_hbm, acc.at[pl.ds(rbase, ROWS_LAST)])

    plsc.subcore_barrier()

    base = (c * NS + s) * EPT

    def body(i, carry):
        off = base + i * CHUNK
        pltpu.sync_copy(src_hbm.at[pl.ds(off, CHUNK)], sidx)
        pltpu.sync_copy(dst_hbm.at[pl.ds(off, CHUNK)], didx)
        pltpu.async_copy(hs_hbm.at[sidx], rows, sem).wait()
        pltpu.sync_copy(rows, acc.at[didx], add=True)
        return carry

    lax.fori_loop(0, EPT // CHUNK, body, 0)
    plsc.subcore_barrier()

    @pl.when(s < NS - 1)
    def _():
        pltpu.sync_copy(acc.at[pl.ds(rbase, ROWS_A)],
                        out_hbm.at[c, pl.ds(rbase, ROWS_A)])

    @pl.when(s == NS - 1)
    def _():
        pltpu.sync_copy(acc.at[pl.ds(rbase, ROWS_LAST)],
                        out_hbm.at[c, pl.ds(rbase, ROWS_LAST)])


RB = 1000


def _tc1_body(dp_ref, x_ref, w_ref, hs_ref, dis_ref):
    deg = dp_ref[...] + 1.0
    dis = lax.rsqrt(deg)
    t = jnp.dot(x_ref[...], w_ref[...], preferred_element_type=jnp.float32)
    hs_ref[...] = dis * t
    dis_ref[...] = dis


def _tc1(dp, x, W1):
    return pl.pallas_call(
        _tc1_body,
        grid=(N // RB,),
        in_specs=[
            pl.BlockSpec((RB, 1), lambda i: (i, 0)),
            pl.BlockSpec((RB, DIN), lambda i: (i, 0)),
            pl.BlockSpec((DIN, H), lambda i: (0, 0)),
        ],
        out_specs=[
            pl.BlockSpec((RB, H), lambda i: (i, 0)),
            pl.BlockSpec((RB, 1), lambda i: (i, 0)),
        ],
        out_shape=[
            jax.ShapeDtypeStruct((N, H), jnp.float32),
            jax.ShapeDtypeStruct((N, 1), jnp.float32),
        ],
    )(dp, x, W1)


def _tc_mid_body(p_ref, hs_ref, dis_ref, b_ref, w_ref, out_ref):
    agg = p_ref[0] + p_ref[1] + hs_ref[...]
    z = dis_ref[...] * agg + b_ref[...]
    a = jnp.maximum(z, 0.0)
    t = jnp.dot(a, w_ref[...], preferred_element_type=jnp.float32)
    out_ref[...] = dis_ref[...] * t


def _tc_mid(p, hs, dis, b, W):
    return pl.pallas_call(
        _tc_mid_body,
        grid=(N // RB,),
        in_specs=[
            pl.BlockSpec((NC, RB, H), lambda i: (0, i, 0)),
            pl.BlockSpec((RB, H), lambda i: (i, 0)),
            pl.BlockSpec((RB, 1), lambda i: (i, 0)),
            pl.BlockSpec((1, H), lambda i: (0, 0)),
            pl.BlockSpec((H, H), lambda i: (0, 0)),
        ],
        out_specs=pl.BlockSpec((RB, H), lambda i: (i, 0)),
        out_shape=jax.ShapeDtypeStruct((N, H), jnp.float32),
    )(p, hs, dis, b, W)


def _tc3_body(p_ref, hs_ref, dis_ref, b_ref, batchf_ref, wl_ref, bl_ref,
              out_ref, sums_scr, cnt_scr):
    i = pl.program_id(0)

    @pl.when(i == 0)
    def _():
        sums_scr[...] = jnp.zeros_like(sums_scr)
        cnt_scr[...] = jnp.zeros_like(cnt_scr)

    agg = p_ref[0] + p_ref[1] + hs_ref[...]
    z = dis_ref[...] * agg + b_ref[...]
    iota_g = lax.broadcasted_iota(jnp.int32, (1, G), 1).astype(jnp.float32)
    onehot = (batchf_ref[...] == iota_g).astype(jnp.float32)
    sums_scr[...] += lax.dot_general(
        onehot, z, (((0,), (0,)), ((), ())),
        preferred_element_type=jnp.float32)
    cnt_scr[...] += lax.dot_general(
        onehot, jnp.ones_like(z), (((0,), (0,)), ((), ())),
        preferred_element_type=jnp.float32)

    @pl.when(i == pl.num_programs(0) - 1)
    def _():
        pooled = sums_scr[...] / jnp.maximum(cnt_scr[...], 1.0)
        out_ref[...] = jnp.dot(pooled, wl_ref[...],
                               preferred_element_type=jnp.float32) + bl_ref[...]


def _tc3(p, hs, dis, b, batchf, Wl, bl):
    return pl.pallas_call(
        _tc3_body,
        grid=(N // RB,),
        in_specs=[
            pl.BlockSpec((NC, RB, H), lambda i: (0, i, 0)),
            pl.BlockSpec((RB, H), lambda i: (i, 0)),
            pl.BlockSpec((RB, 1), lambda i: (i, 0)),
            pl.BlockSpec((1, H), lambda i: (0, 0)),
            pl.BlockSpec((RB, 1), lambda i: (i, 0)),
            pl.BlockSpec((H, DOUT), lambda i: (0, 0)),
            pl.BlockSpec((1, DOUT), lambda i: (0, 0)),
        ],
        out_specs=pl.BlockSpec((G, DOUT), lambda i: (0, 0)),
        out_shape=jax.ShapeDtypeStruct((G, DOUT), jnp.float32),
        scratch_shapes=[
            pltpu.VMEM((G, H), jnp.float32),
            pltpu.VMEM((G, H), jnp.float32),
        ],
    )(p, hs, dis, b, batchf, Wl, bl)


def kernel(x, edge_index, batch, W1, b1, W2, b2, W3, b3, Wl, bl):
    src = edge_index[0]
    dst = edge_index[1]
    zeros_n = jnp.zeros((N,), jnp.float32)
    zeros_rows = jnp.zeros((ROWS_LAST, H), jnp.float32)

    deg = _deg_sc(dst, zeros_n)
    hs1, dis = _tc1(deg.reshape(N, 1), x, W1)
    p = _agg_sc(hs1, src, dst, zeros_rows)
    hs2 = _tc_mid(p, hs1, dis, b1.reshape(1, H), W2)
    p = _agg_sc(hs2, src, dst, zeros_rows)
    hs3 = _tc_mid(p, hs2, dis, b2.reshape(1, H), W3)
    p = _agg_sc(hs3, src, dst, zeros_rows)
    return _tc3(p, hs3, dis, b3.reshape(1, H),
                batch.astype(jnp.float32).reshape(N, 1),
                Wl, bl.reshape(1, DOUT))

# --- scband reference (transcript-rebuilt; emitter-appended) ---
"""Pipeline reference for scband-gcn-4604204942041 (READ-ONLY COPY).

The authoritative reference and input builder live on the scoring server;
editing this copy changes nothing except your own understanding.
"""

import jax, jax.numpy as jnp
import numpy as np

N = 10000
E = 320000
DIN = 128
H = 128
DOUT = 10
G = 64


def setup_inputs(seed: int = 0) -> dict:
    key = jax.random.key(seed)
    ks = jax.random.split(key, 12)
    x = jax.random.normal(ks[0], (N, DIN), dtype=jnp.float32)
    edge_index = jax.random.randint(ks[1], (2, E), 0, N, dtype=jnp.int32)
    batch = jnp.sort(jax.random.randint(ks[2], (N,), 0, G, dtype=jnp.int32))
    def glorot(k, fan_in, fan_out):
        lim = np.sqrt(6.0 / (fan_in + fan_out))
        return jax.random.uniform(k, (fan_in, fan_out), dtype=jnp.float32, minval=-lim, maxval=lim)
    W1 = glorot(ks[3], DIN, H)
    b1 = jnp.zeros((H,), dtype=jnp.float32)
    W2 = glorot(ks[4], H, H)
    b2 = jnp.zeros((H,), dtype=jnp.float32)
    W3 = glorot(ks[5], H, H)
    b3 = jnp.zeros((H,), dtype=jnp.float32)
    Wl = glorot(ks[6], H, DOUT)
    bl = jnp.zeros((DOUT,), dtype=jnp.float32)
    return {"x": x, "edge_index": edge_index, "batch": batch,
            "W1": W1, "b1": b1, "W2": W2, "b2": b2, "W3": W3, "b3": b3,
            "Wl": Wl, "bl": bl}


def _gcn_conv(x, W, b, src, dst, n):
    # add self-loops (PyG GCNConv default)
    loop = jnp.arange(n, dtype=src.dtype)
    src = jnp.concatenate([src, loop])
    dst = jnp.concatenate([dst, loop])
    h = x @ W
    deg = jax.ops.segment_sum(jnp.ones(dst.shape, dtype=h.dtype), dst, num_segments=n)
    dis = jnp.where(deg > 0, 1.0 / jnp.sqrt(deg), 0.0)
    norm = dis[src] * dis[dst]
    msg = h[src] * norm[:, None]
    out = jax.ops.segment_sum(msg, dst, num_segments=n)
    return out + b


def reference(x, edge_index, batch, W1, b1, W2, b2, W3, b3, Wl, bl):
    src = edge_index[0]
    dst = edge_index[1]
    h = _gcn_conv(x, W1, b1, src, dst, N)
    h = jax.nn.relu(h)
    h = _gcn_conv(h, W2, b2, src, dst, N)
    h = jax.nn.relu(h)
    h = _gcn_conv(h, W3, b3, src, dst, N)
    # global mean pool over batch assignment
    sums = jax.ops.segment_sum(h, batch, num_segments=G)
    cnt = jax.ops.segment_sum(jnp.ones((N,), dtype=h.dtype), batch, num_segments=G)
    pooled = sums / jnp.clip(cnt, 1.0)[:, None]
    # dropout is identity at inference (training=False)
    return pooled @ Wl + bl

if __name__ == "__main__":
    import jax
    _d = setup_inputs()
    print(jax.jit(kernel)(*tuple(_d.values())))

</pallas_src>

<mosaic_0001>
#map = affine_map<(d0, d1) -> (0)>
module attributes {stable_mosaic.version = 14 : i64} {
  func.func @_deg_sc(%arg0: i32, %arg1: i32, %arg2: memref<320000xi32, #tpu.memory_space<hbm>>, %arg3: memref<10000xf32, #tpu.memory_space<hbm>>, %arg4: memref<10000xf32, #tpu.memory_space<hbm>>, %arg5: memref<80xi32, #tpu.memory_space<vmem>>, %arg6: memref<80xf32, #tpu.memory_space<vmem>>, %arg7: memref<10000xf32, #tpu.memory_space<vmem_shared>>) attributes {dimension_semantics = [#tpu.dimension_semantics<core_parallel>, #tpu.dimension_semantics<subcore_parallel>], iteration_bounds = array<i64: 2, 16>, scalar_prefetch = 0 : i64, scratch_operands = 3 : i64, tpu.core_type = #tpu.core_type<sc_vector_subcore>, window_params = [{transform_indices = #map}, {transform_indices = #map}, {transform_indices = #map}]} {
    %broadcast_in_dim3A = arith.constant 1.000000e+00 : f32
    %broadcast_in_dim3A_0 = vector.broadcast %broadcast_in_dim3A : f32 to vector<16xf32>
    %swap3A = arith.constant 0 : index
    %swap3A_1 = tpu.vector_load %arg6[%swap3A] {strides = array<i32>} : memref<80xf32, #tpu.memory_space<vmem>>, vector<16xf32>,
    %swap3A_2 = vector.shape_cast %swap3A_1 : vector<16xf32> to vector<16xf32>
    %swap3A_3 = vector.shape_cast %broadcast_in_dim3A_0 : vector<16xf32> to vector<16xf32>
    tpu.vector_store %arg6[%swap3A], %swap3A_3 {strides = array<i32>} : memref<80xf32, #tpu.memory_space<vmem>>, vector<16xf32>,
    %broadcast_in_dim3A_4 = arith.constant 1.000000e+00 : f32
    %broadcast_in_dim3A_5 = vector.broadcast %broadcast_in_dim3A_4 : f32 to vector<16xf32>
    %swap3A_6 = arith.constant 16 : index
    %swap3A_7 = tpu.vector_load %arg6[%swap3A_6] {strides = array<i32>} : memref<80xf32, #tpu.memory_space<vmem>>, vector<16xf32>,
    %swap3A_8 = vector.shape_cast %swap3A_7 : vector<16xf32> to vector<16xf32>
    %swap3A_9 = vector.shape_cast %broadcast_in_dim3A_5 : vector<16xf32> to vector<16xf32>
    tpu.vector_store %arg6[%swap3A_6], %swap3A_9 {strides = array<i32>} : memref<80xf32, #tpu.memory_space<vmem>>, vector<16xf32>,
    %broadcast_in_dim3A_10 = arith.constant 1.000000e+00 : f32
    %broadcast_in_dim3A_11 = vector.broadcast %broadcast_in_dim3A_10 : f32 to vector<16xf32>
    %swap3A_12 = arith.constant 32 : index
    %swap3A_13 = tpu.vector_load %arg6[%swap3A_12] {strides = array<i32>} : memref<80xf32, #tpu.memory_space<vmem>>, vector<16xf32>,
    %swap3A_14 = vector.shape_cast %swap3A_13 : vector<16xf32> to vector<16xf32>
    %swap3A_15 = vector.shape_cast %broadcast_in_dim3A_11 : vector<16xf32> to vector<16xf32>
    tpu.vector_store %arg6[%swap3A_12], %swap3A_15 {strides = array<i32>} : memref<80xf32, #tpu.memory_space<vmem>>, vector<16xf32>,
    %broadcast_in_dim3A_16 = arith.constant 1.000000e+00 : f32
    %broadcast_in_dim3A_17 = vector.broadcast %broadcast_in_dim3A_16 : f32 to vector<16xf32>
    %swap3A_18 = arith.constant 48 : index
    %swap3A_19 = tpu.vector_load %arg6[%swap3A_18] {strides = array<i32>} : memref<80xf32, #tpu.memory_space<vmem>>, vector<16xf32>,
    %swap3A_20 = vector.shape_cast %swap3A_19 : vector<16xf32> to vector<16xf32>
    %swap3A_21 = vector.shape_cast %broadcast_in_dim3A_17 : vector<16xf32> to vector<16xf32>
    tpu.vector_store %arg6[%swap3A_18], %swap3A_21 {strides = array<i32>} : memref<80xf32, #tpu.memory_space<vmem>>, vector<16xf32>,
    %broadcast_in_dim3A_22 = arith.constant 1.000000e+00 : f32
    %broadcast_in_dim3A_23 = vector.broadcast %broadcast_in_dim3A_22 : f32 to vector<16xf32>
    %swap3A_24 = arith.constant 64 : index
    %swap3A_25 = tpu.vector_load %arg6[%swap3A_24] {strides = array<i32>} : memref<80xf32, #tpu.memory_space<vmem>>, vector<16xf32>,
    %swap3A_26 = vector.shape_cast %swap3A_25 : vector<16xf32> to vector<16xf32>
    %swap3A_27 = vector.shape_cast %broadcast_in_dim3A_23 : vector<16xf32> to vector<16xf32>
    tpu.vector_store %arg6[%swap3A_24], %swap3A_27 {strides = array<i32>} : memref<80xf32, #tpu.memory_space<vmem>>, vector<16xf32>,
    %eq3A = arith.constant 0 : i32
    %eq3A_28 = arith.cmpi eq, %arg0, %eq3A : i32
    %eq3A_29 = arith.constant 0 : i32
    %eq3A_30 = arith.cmpi eq, %arg1, %eq3A_29 : i32
    %and3A = arith.andi %eq3A_28, %eq3A_30 : i1
    %convert_element_type3A = arith.extui %and3A : i1 to i32
    %cond3A = arith.constant 0 : i32
    %cond3A_31 = arith.cmpi ne, %convert_element_type3A, %cond3A : i32
    scf.if %cond3A_31 {
      "tpu.region"() ({
        %run_scoped3A = tpu.sem_alloc : memref<!tpu.dma_semaphore, #tpu.memory_space<semaphore_mem>>
        tpu.enqueue_dma source(%arg3 : memref<10000xf32, #tpu.memory_space<hbm>>) target(%arg7 : memref<10000xf32, #tpu.memory_space<vmem_shared>>) target_semaphore(%run_scoped3A : memref<!tpu.dma_semaphore, #tpu.memory_space<semaphore_mem>>)
        tpu.wait_dma2 semaphore(%run_scoped3A : memref<!tpu.dma_semaphore, #tpu.memory_space<semaphore_mem>>) src(%arg3 : memref<10000xf32, #tpu.memory_space<hbm>>) dst(%arg7 : memref<10000xf32, #tpu.memory_space<vmem_shared>>)
        tpu.yield
      }) : () -> ()
    } else {
    }
    %barrier3A = arith.constant 0 : index
    tpu.barrier barrier_id(%barrier3A)
    %eq3A_32 = arith.constant 0 : i32
    %eq3A_33 = arith.cmpi eq, %arg0, %eq3A_32 : i32
    %convert_element_type3A_34 = arith.extui %eq3A_33 : i1 to i32
    %cond3A_35 = arith.constant 0 : i32
    %cond3A_36 = arith.cmpi ne, %convert_element_type3A_34, %cond3A_35 : i32
    scf.if %cond3A_36 {
      %mul3A = arith.constant 20000 : i32
      %mul3A_46 = arith.muli %arg1, %mul3A : i32
      %scan3A = arith.constant 0 : i32
      %scan3A_47 = arith.constant 0 : i32
      %scan3A_48 = arith.constant 250 : i32
      %scan3A_49 = arith.addi %scan3A_47, %scan3A_48 : i32
      %scan3A_50 = arith.constant 1 : i32
      scf.for %scan3A_52 = %scan3A_47 to %scan3A_49 step %scan3A_50  : i32 {
        %mul3A_53 = arith.constant 80 : i32
        %mul3A_54 = arith.muli %scan3A_52, %mul3A_53 : i32
        %add3A = arith.addi %mul3A_46, %mul3A_54 : i32
        "tpu.region"() ({
          %run_scoped3A = tpu.sem_alloc : memref<!tpu.dma_semaphore, #tpu.memory_space<semaphore_mem>>
          %dma_start3A = tpu.memref_slice %arg2[%add3A] : memref<320000xi32, #tpu.memory_space<hbm>> -> memref<80xi32, #tpu.memory_space<hbm>>
          %dma_start3A_55 = tpu.memref_slice %arg2[%add3A] : memref<320000xi32, #tpu.memory_space<hbm>> -> memref<80xi32, #tpu.memory_space<hbm>>
          tpu.enqueue_dma source(%dma_start3A_55 : memref<80xi32, #tpu.memory_space<hbm>>) target(%arg5 : memref<80xi32, #tpu.memory_space<vmem>>) target_semaphore(%run_scoped3A : memref<!tpu.dma_semaphore, #tpu.memory_space<semaphore_mem>>)
          %dma_wait3A = tpu.memref_slice %arg2[%add3A] : memref<320000xi32, #tpu.memory_space<hbm>> -> memref<80xi32, #tpu.memory_space<hbm>>
          %dma_wait3A_56 = tpu.memref_slice %arg2[%add3A] : memref<320000xi32, #tpu.memory_space<hbm>> -> memref<80xi32, #tpu.memory_space<hbm>>
          tpu.wait_dma2 semaphore(%run_scoped3A : memref<!tpu.dma_semaphore, #tpu.memory_space<semaphore_mem>>) src(%dma_wait3A_56 : memref<80xi32, #tpu.memory_space<hbm>>) dst(%arg5 : memref<80xi32, #tpu.memory_space<vmem>>)
          tpu.yield
        }) : () -> ()
        "tpu.region"() ({
          %run_scoped3A = tpu.sem_alloc : memref<!tpu.dma_semaphore, #tpu.memory_space<semaphore_mem>>
          %dma_start3A = arith.constant 0 : i32
          %dma_start3A_55 = tpu.memref_slice %arg7[%dma_start3A] : memref<10000xf32, #tpu.memory_space<vmem_shared>> -> memref<10000xf32, #tpu.memory_space<vmem_shared>>
          tpu.enqueue_indirect_dma source(%arg6 : memref<80xf32, #tpu.memory_space<vmem>>) target(%dma_start3A_55 : memref<10000xf32, #tpu.memory_space<vmem_shared>>) offsets(%arg5 : memref<80xi32, #tpu.memory_space<vmem>>) semaphore(%run_scoped3A : memref<!tpu.dma_semaphore, #tpu.memory_space<semaphore_mem>>) {add = true}
          %dma_wait3A = arith.constant 0 : i32
          %dma_wait3A_56 = tpu.memref_slice %arg7[%dma_wait3A] : memref<10000xf32, #tpu.memory_space<vmem_shared>> -> memref<10000xf32, #tpu.memory_space<vmem_shared>>
          tpu.wait_indirect_dma semaphore(%run_scoped3A : memref<!tpu.dma_semaphore, #tpu.memory_space<semaphore_mem>>) src(%arg6 : memref<80xf32, #tpu.memory_space<vmem>>) dst(%dma_wait3A_56 : memref<10000xf32, #tpu.memory_space<vmem_shared>>)
          tpu.yield
        }) : () -> ()
      }
      %scan3A_51 = arith.constant 250 : i32
    } else {
    }
    %barrier3A_37 = arith.constant 0 : index
    tpu.barrier barrier_id(%barrier3A_37)
    %eq3A_38 = arith.constant 0 : i32
    %eq3A_39 = arith.cmpi eq, %arg0, %eq3A_38 : i32
    %eq3A_40 = arith.constant 0 : i32
    %eq3A_41 = arith.cmpi eq, %arg1, %eq3A_40 : i32
    %and3A_42 = arith.andi %eq3A_39, %eq3A_41 : i1
    %convert_element_type3A_43 = arith.extui %and3A_42 : i1 to i32
    %cond3A_44 = arith.constant 0 : i32
    %cond3A_45 = arith.cmpi ne, %convert_element_type3A_43, %cond3A_44 : i32
    scf.if %cond3A_45 {
      "tpu.region"() ({
        %run_scoped3A = tpu.sem_alloc : memref<!tpu.dma_semaphore, #tpu.memory_space<semaphore_mem>>
        tpu.enqueue_dma source(%arg7 : memref<10000xf32, #tpu.memory_space<vmem_shared>>) target(%arg4 : memref<10000xf32, #tpu.memory_space<hbm>>) target_semaphore(%run_scoped3A : memref<!tpu.dma_semaphore, #tpu.memory_space<semaphore_mem>>)
        tpu.wait_dma2 semaphore(%run_scoped3A : memref<!tpu.dma_semaphore, #tpu.memory_space<semaphore_mem>>) src(%arg7 : memref<10000xf32, #tpu.memory_space<vmem_shared>>) dst(%arg4 : memref<10000xf32, #tpu.memory_space<hbm>>)
        tpu.yield
      }) : () -> ()
    } else {
    }
    return
  }
}

#map = affine_map<(d0, d1) -> (0, 0)>
#map1 = affine_map<(d0, d1) -> (0)>
#map2 = affine_map<(d0, d1) -> (0, 0, 0)>
module attributes {stable_mosaic.version = 14 : i64} {
  func.func @_agg_sc(%arg0: i32, %arg1: i32, %arg2: memref<10000x128xf32, #tpu.memory_space<hbm>>, %arg3: memref<320000xi32, #tpu.memory_space<hbm>>, %arg4: memref<320000xi32, #tpu.memory_space<hbm>>, %arg5: memref<640x128xf32, #tpu.memory_space<hbm>>, %arg6: memref<2x10000x128xf32, #tpu.memory_space<hbm>>, %arg7: memref<80xi32, #tpu.memory_space<vmem>>, %arg8: memref<80xi32, #tpu.memory_space<vmem>>, %arg9: memref<80x128xf32, #tpu.memory_space<vmem>>, %arg10: memref<10000x128xf32, #tpu.memory_space<vmem_shared>>, %arg11: memref<!tpu.dma_semaphore, #tpu.memory_space<semaphore_mem>>) attributes {dimension_semantics = [#tpu.dimension_semantics<core_parallel>, #tpu.dimension_semantics<subcore_parallel>], iteration_bounds = array<i64: 2, 16>, scalar_prefetch = 0 : i64, scratch_operands = 5 : i64, tpu.core_type = #tpu.core_type<sc_vector_subcore>, window_params = [{transform_indices = #map}, {transform_indices = #map1}, {transform_indices = #map1}, {transform_indices = #map}, {transform_indices = #map2}]} {
    %mul3A = arith.constant 624 : i32
    %mul3A_0 = arith.muli %arg1, %mul3A : i32
    %lt3A = arith.constant 15 : i32
    %lt3A_1 = arith.cmpi slt, %arg1, %lt3A : i32
    %convert_element_type3A = arith.extui %lt3A_1 : i1 to i32
    %cond3A = arith.constant 0 : i32
    %cond3A_2 = arith.cmpi ne, %convert_element_type3A, %cond3A : i32
    scf.if %cond3A_2 {
      "tpu.region"() ({
        %run_scoped3A = tpu.sem_alloc : memref<!tpu.dma_semaphore, #tpu.memory_space<semaphore_mem>>
        %dma_start3A = arith.constant 0 : i32
        %dma_start3A_27 = tpu.memref_slice %arg10[%mul3A_0, %dma_start3A] : memref<10000x128xf32, #tpu.memory_space<vmem_shared>> -> memref<624x128xf32, #tpu.memory_space<vmem_shared>>
        %dma_start3A_28 = arith.constant 0 : i32
        %dma_start3A_29 = arith.constant 0 : i32
        %dma_start3A_30 = tpu.memref_slice %arg5[%dma_start3A_28, %dma_start3A_29] : memref<640x128xf32, #tpu.memory_space<hbm>> -> memref<624x128xf32, #tpu.memory_space<hbm>>
        tpu.enqueue_dma source(%dma_start3A_30 : memref<624x128xf32, #tpu.memory_space<hbm>>) target(%dma_start3A_27 : memref<624x128xf32, #tpu.memory_space<vmem_shared>>) target_semaphore(%run_scoped3A : memref<!tpu.dma_semaphore, #tpu.memory_space<semaphore_mem>>)
        %dma_wait3A = arith.constant 0 : i32
        %dma_wait3A_31 = tpu.memref_slice %arg10[%mul3A_0, %dma_wait3A] : memref<10000x128xf32, #tpu.memory_space<vmem_shared>> -> memref<624x128xf32, #tpu.memory_space<vmem_shared>>
        %dma_wait3A_32 = arith.constant 0 : i32
        %dma_wait3A_33 = arith.constant 0 : i32
        %dma_wait3A_34 = tpu.memref_slice %arg5[%dma_wait3A_32, %dma_wait3A_33] : memref<640x128xf32, #tpu.memory_space<hbm>> -> memref<624x128xf32, #tpu.memory_space<hbm>>
        tpu.wait_dma2 semaphore(%run_scoped3A : memref<!tpu.dma_semaphore, #tpu.memory_space<semaphore_mem>>) src(%dma_wait3A_34 : memref<624x128xf32, #tpu.memory_space<hbm>>) dst(%dma_wait3A_31 : memref<624x128xf32, #tpu.memory_space<vmem_shared>>)
        tpu.yield
      }) : () -> ()
    } else {
    }
    %eq3A = arith.constant 15 : i32
    %eq3A_3 = arith.cmpi eq, %arg1, %eq3A : i32
    %convert_element_type3A_4 = arith.extui %eq3A_3 : i1 to i32
    %cond3A_5 = arith.constant 0 : i32
    %cond3A_6 = arith.cmpi ne, %convert_element_type3A_4, %cond3A_5 : i32
    scf.if %cond3A_6 {
      "tpu.region"() ({
        %run_scoped3A = tpu.sem_alloc : memref<!tpu.dma_semaphore, #tpu.memory_space<semaphore_mem>>
        %dma_start3A = arith.constant 0 : i32
        %dma_start3A_27 = tpu.memref_slice %arg10[%mul3A_0, %dma_start3A] : memref<10000x128xf32, #tpu.memory_space<vmem_shared>> -> memref<640x128xf32, #tpu.memory_space<vmem_shared>>
        tpu.enqueue_dma source(%arg5 : memref<640x128xf32, #tpu.memory_space<hbm>>) target(%dma_start3A_27 : memref<640x128xf32, #tpu.memory_space<vmem_shared>>) target_semaphore(%run_scoped3A : memref<!tpu.dma_semaphore, #tpu.memory_space<semaphore_mem>>)
        %dma_wait3A = arith.constant 0 : i32
        %dma_wait3A_28 = tpu.memref_slice %arg10[%mul3A_0, %dma_wait3A] : memref<10000x128xf32, #tpu.memory_space<vmem_shared>> -> memref<640x128xf32, #tpu.memory_space<vmem_shared>>
        tpu.wait_dma2 semaphore(%run_scoped3A : memref<!tpu.dma_semaphore, #tpu.memory_space<semaphore_mem>>) src(%arg5 : memref<640x128xf32, #tpu.memory_space<hbm>>) dst(%dma_wait3A_28 : memref<640x128xf32, #tpu.memory_space<vmem_shared>>)
        tpu.yield
      }) : () -> ()
    } else {
    }
    %barrier3A = arith.constant 0 : index
    tpu.barrier barrier_id(%barrier3A)
    %mul3A_7 = arith.constant 16 : i32
    %mul3A_8 = arith.muli %arg0, %mul3A_7 : i32
    %add3A = arith.addi %mul3A_8, %arg1 : i32
    %mul3A_9 = arith.constant 10000 : i32
    %mul3A_10 = arith.muli %add3A, %mul3A_9 : i32
    %scan3A = arith.constant 0 : i32
    %scan3A_11 = arith.constant 0 : i32
    %scan3A_12 = arith.constant 125 : i32
    %scan3A_13 = arith.addi %scan3A_11, %scan3A_12 : i32
    %scan3A_14 = arith.constant 1 : i32
    scf.for %scan3A_27 = %scan3A_11 to %scan3A_13 step %scan3A_14  : i32 {
      %mul3A_28 = arith.constant 80 : i32
      %mul3A_29 = arith.muli %scan3A_27, %mul3A_28 : i32
      %add3A_30 = arith.addi %mul3A_10, %mul3A_29 : i32
      "tpu.region"() ({
        %run_scoped3A = tpu.sem_alloc : memref<!tpu.dma_semaphore, #tpu.memory_space<semaphore_mem>>
        %dma_start3A_35 = tpu.memref_slice %arg3[%add3A_30] : memref<320000xi32, #tpu.memory_space<hbm>> -> memref<80xi32, #tpu.memory_space<hbm>>
        %dma_start3A_36 = tpu.memref_slice %arg3[%add3A_30] : memref<320000xi32, #tpu.memory_space<hbm>> -> memref<80xi32, #tpu.memory_space<hbm>>
        tpu.enqueue_dma source(%dma_start3A_36 : memref<80xi32, #tpu.memory_space<hbm>>) target(%arg7 : memref<80xi32, #tpu.memory_space<vmem>>) target_semaphore(%run_scoped3A : memref<!tpu.dma_semaphore, #tpu.memory_space<semaphore_mem>>)
        %dma_wait3A_37 = tpu.memref_slice %arg3[%add3A_30] : memref<320000xi32, #tpu.memory_space<hbm>> -> memref<80xi32, #tpu.memory_space<hbm>>
        %dma_wait3A_38 = tpu.memref_slice %arg3[%add3A_30] : memref<320000xi32, #tpu.memory_space<hbm>> -> memref<80xi32, #tpu.memory_space<hbm>>
        tpu.wait_dma2 semaphore(%run_scoped3A : memref<!tpu.dma_semaphore, #tpu.memory_space<semaphore_mem>>) src(%dma_wait3A_38 : memref<80xi32, #tpu.memory_space<hbm>>) dst(%arg7 : memref<80xi32, #tpu.memory_space<vmem>>)
        tpu.yield
      }) : () -> ()
      "tpu.region"() ({
        %run_scoped3A = tpu.sem_alloc : memref<!tpu.dma_semaphore, #tpu.memory_space<semaphore_mem>>
        %dma_start3A_35 = tpu.memref_slice %arg4[%add3A_30] : memref<320000xi32, #tpu.memory_space<hbm>> -> memref<80xi32, #tpu.memory_space<hbm>>
        %dma_start3A_36 = tpu.memref_slice %arg4[%add3A_30] : memref<320000xi32, #tpu.memory_space<hbm>> -> memref<80xi32, #tpu.memory_space<hbm>>
        tpu.enqueue_dma source(%dma_start3A_36 : memref<80xi32, #tpu.memory_space<hbm>>) target(%arg8 : memref<80xi32, #tpu.memory_space<vmem>>) target_semaphore(%run_scoped3A : memref<!tpu.dma_semaphore, #tpu.memory_space<semaphore_mem>>)
        %dma_wait3A_37 = tpu.memref_slice %arg4[%add3A_30] : memref<320000xi32, #tpu.memory_space<hbm>> -> memref<80xi32, #tpu.memory_space<hbm>>
        %dma_wait3A_38 = tpu.memref_slice %arg4[%add3A_30] : memref<320000xi32, #tpu.memory_space<hbm>> -> memref<80xi32, #tpu.memory_space<hbm>>
        tpu.wait_dma2 semaphore(%run_scoped3A : memref<!tpu.dma_semaphore, #tpu.memory_space<semaphore_mem>>) src(%dma_wait3A_38 : memref<80xi32, #tpu.memory_space<hbm>>) dst(%arg8 : memref<80xi32, #tpu.memory_space<vmem>>)
        tpu.yield
      }) : () -> ()
      %dma_start3A = arith.constant 0 : i32
      %dma_start3A_31 = arith.constant 0 : i32
      %dma_start3A_32 = tpu.memref_slice %arg2[%dma_start3A, %dma_start3A_31] : memref<10000x128xf32, #tpu.memory_space<hbm>> -> memref<10000x128xf32, #tpu.memory_space<hbm>>
      tpu.enqueue_indirect_dma source(%dma_start3A_32 : memref<10000x128xf32, #tpu.memory_space<hbm>>) target(%arg9 : memref<80x128xf32, #tpu.memory_space<vmem>>) offsets(%arg7 : memref<80xi32, #tpu.memory_space<vmem>>) semaphore(%arg11 : memref<!tpu.dma_semaphore, #tpu.memory_space<semaphore_mem>>)
      %dma_wait3A = arith.constant 0 : i32
      %dma_wait3A_33 = arith.constant 0 : i32
      %dma_wait3A_34 = tpu.memref_slice %arg2[%dma_wait3A, %dma_wait3A_33] : memref<10000x128xf32, #tpu.memory_space<hbm>> -> memref<10000x128xf32, #tpu.memory_space<hbm>>
      tpu.wait_indirect_dma semaphore(%arg11 : memref<!tpu.dma_semaphore, #tpu.memory_space<semaphore_mem>>) src(%dma_wait3A_34 : memref<10000x128xf32, #tpu.memory_space<hbm>>) dst(%arg9 : memref<80x128xf32, #tpu.memory_space<vmem>>)
      "tpu.region"() ({
        %run_scoped3A = tpu.sem_alloc : memref<!tpu.dma_semaphore, #tpu.memory_space<semaphore_mem>>
        %dma_start3A_35 = arith.constant 0 : i32
        %dma_start3A_36 = arith.constant 0 : i32
        %dma_start3A_37 = tpu.memref_slice %arg10[%dma_start3A_35, %dma_start3A_36] : memref<10000x128xf32, #tpu.memory_space<vmem_shared>> -> memref<10000x128xf32, #tpu.memory_space<vmem_shared>>
        tpu.enqueue_indirect_dma source(%arg9 : memref<80x128xf32, #tpu.memory_space<vmem>>) target(%dma_start3A_37 : memref<10000x128xf32, #tpu.memory_space<vmem_shared>>) offsets(%arg8 : memref<80xi32, #tpu.memory_space<vmem>>) semaphore(%run_scoped3A : memref<!tpu.dma_semaphore, #tpu.memory_space<semaphore_mem>>) {add = true}
        %dma_wait3A_38 = arith.constant 0 : i32
        %dma_wait3A_39 = arith.constant 0 : i32
        %dma_wait3A_40 = tpu.memref_slice %arg10[%dma_wait3A_38, %dma_wait3A_39] : memref<10000x128xf32, #tpu.memory_space<vmem_shared>> -> memref<10000x128xf32, #tpu.memory_space<vmem_shared>>
        tpu.wait_indirect_dma semaphore(%run_scoped3A : memref<!tpu.dma_semaphore, #tpu.memory_space<semaphore_mem>>) src(%arg9 : memref<80x128xf32, #tpu.memory_space<vmem>>) dst(%dma_wait3A_40 : memref<10000x128xf32, #tpu.memory_space<vmem_shared>>)
        tpu.yield
      }) : () -> ()
    }
    %scan3A_15 = arith.constant 125 : i32
    %barrier3A_16 = arith.constant 0 : index
    tpu.barrier barrier_id(%barrier3A_16)
    %lt3A_17 = arith.constant 15 : i32
    %lt3A_18 = arith.cmpi slt, %arg1, %lt3A_17 : i32
    %convert_element_type3A_19 = arith.extui %lt3A_18 : i1 to i32
    %cond3A_20 = arith.constant 0 : i32
    %cond3A_21 = arith.cmpi ne, %convert_element_type3A_19, %cond3A_20 : i32
    scf.if %cond3A_21 {
      "tpu.region"() ({
        %run_scoped3A = tpu.sem_alloc : memref<!tpu.dma_semaphore, #tpu.memory_space<semaphore_mem>>
        %dma_start3A = arith.constant 0 : i32
        %dma_start3A_27 = tpu.memref_slice %arg6[%arg0, %mul3A_0, %dma_start3A] : memref<2x10000x128xf32, #tpu.memory_space<hbm>> -> memref<1x624x128xf32, #tpu.memory_space<hbm>>
        %dma_start3A_28 = tpu.memref_squeeze %dma_start3A_27 : memref<1x624x128xf32, #tpu.memory_space<hbm>> -> memref<624x128xf32, #tpu.memory_space<hbm>>
        %dma_start3A_29 = arith.constant 0 : i32
        %dma_start3A_30 = tpu.memref_slice %arg10[%mul3A_0, %dma_start3A_29] : memref<10000x128xf32, #tpu.memory_space<vmem_shared>> -> memref<624x128xf32, #tpu.memory_space<vmem_shared>>
        tpu.enqueue_dma source(%dma_start3A_30 : memref<624x128xf32, #tpu.memory_space<vmem_shared>>) target(%dma_start3A_28 : memref<624x128xf32, #tpu.memory_space<hbm>>) target_semaphore(%run_scoped3A : memref<!tpu.dma_semaphore, #tpu.memory_space<semaphore_mem>>)
        %dma_wait3A = arith.constant 0 : i32
        %dma_wait3A_31 = tpu.memref_slice %arg6[%arg0, %mul3A_0, %dma_wait3A] : memref<2x10000x128xf32, #tpu.memory_space<hbm>> -> memref<1x624x128xf32, #tpu.memory_space<hbm>>
        %dma_wait3A_32 = tpu.memref_squeeze %dma_wait3A_31 : memref<1x624x128xf32, #tpu.memory_space<hbm>> -> memref<624x128xf32, #tpu.memory_space<hbm>>
        %dma_wait3A_33 = arith.constant 0 : i32
        %dma_wait3A_34 = tpu.memref_slice %arg10[%mul3A_0, %dma_wait3A_33] : memref<10000x128xf32, #tpu.memory_space<vmem_shared>> -> memref<624x128xf32, #tpu.memory_space<vmem_shared>>
        tpu.wait_dma2 semaphore(%run_scoped3A : memref<!tpu.dma_semaphore, #tpu.memory_space<semaphore_mem>>) src(%dma_wait3A_34 : memref<624x128xf32, #tpu.memory_space<vmem_shared>>) dst(%dma_wait3A_32 : memref<624x128xf32, #tpu.memory_space<hbm>>)
        tpu.yield
      }) : () -> ()
    } else {
    }
    %eq3A_22 = arith.constant 15 : i32
    %eq3A_23 = arith.cmpi eq, %arg1, %eq3A_22 : i32
    %convert_element_type3A_24 = arith.extui %eq3A_23 : i1 to i32
    %cond3A_25 = arith.constant 0 : i32
    %cond3A_26 = arith.cmpi ne, %convert_element_type3A_24, %cond3A_25 : i32
    scf.if %cond3A_26 {
      "tpu.region"() ({
        %run_scoped3A = tpu.sem_alloc : memref<!tpu.dma_semaphore, #tpu.memory_space<semaphore_mem>>
        %dma_start3A = arith.constant 0 : i32
        %dma_start3A_27 = tpu.memref_slice %arg6[%arg0, %mul3A_0, %dma_start3A] : memref<2x10000x128xf32, #tpu.memory_space<hbm>> -> memref<1x640x128xf32, #tpu.memory_space<hbm>>
        %dma_start3A_28 = tpu.memref_squeeze %dma_start3A_27 : memref<1x640x128xf32, #tpu.memory_space<hbm>> -> memref<640x128xf32, #tpu.memory_space<hbm>>
        %dma_start3A_29 = arith.constant 0 : i32
        %dma_start3A_30 = tpu.memref_slice %arg10[%mul3A_0, %dma_start3A_29] : memref<10000x128xf32, #tpu.memory_space<vmem_shared>> -> memref<640x128xf32, #tpu.memory_space<vmem_shared>>
        tpu.enqueue_dma source(%dma_start3A_30 : memref<640x128xf32, #tpu.memory_space<vmem_shared>>) target(%dma_start3A_28 : memref<640x128xf32, #tpu.memory_space<hbm>>) target_semaphore(%run_scoped3A : memref<!tpu.dma_semaphore, #tpu.memory_space<semaphore_mem>>)
        %dma_wait3A = arith.constant 0 : i32
        %dma_wait3A_31 = tpu.memref_slice %arg6[%arg0, %mul3A_0, %dma_wait3A] : memref<2x10000x128xf32, #tpu.memory_space<hbm>> -> memref<1x640x128xf32, #tpu.memory_space<hbm>>
        %dma_wait3A_32 = tpu.memref_squeeze %dma_wait3A_31 : memref<1x640x128xf32, #tpu.memory_space<hbm>> -> memref<640x128xf32, #tpu.memory_space<hbm>>
        %dma_wait3A_33 = arith.constant 0 : i32
        %dma_wait3A_34 = tpu.memref_slice %arg10[%mul3A_0, %dma_wait3A_33] : memref<10000x128xf32, #tpu.memory_space<vmem_shared>> -> memref<640x128xf32, #tpu.memory_space<vmem_shared>>
        tpu.wait_dma2 semaphore(%run_scoped3A : memref<!tpu.dma_semaphore, #tpu.memory_space<semaphore_mem>>) src(%dma_wait3A_34 : memref<640x128xf32, #tpu.memory_space<vmem_shared>>) dst(%dma_wait3A_32 : memref<640x128xf32, #tpu.memory_space<hbm>>)
        tpu.yield
      }) : () -> ()
    } else {
    }
    return
  }
}

#map = affine_map<(d0, d1) -> (0, 0)>
#map1 = affine_map<(d0, d1) -> (0)>
#map2 = affine_map<(d0, d1) -> (0, 0, 0)>
module attributes {stable_mosaic.version = 14 : i64} {
  func.func @_agg_sc(%arg0: i32, %arg1: i32, %arg2: memref<10000x128xf32, #tpu.memory_space<hbm>>, %arg3: memref<320000xi32, #tpu.memory_space<hbm>>, %arg4: memref<320000xi32, #tpu.memory_space<hbm>>, %arg5: memref<640x128xf32, #tpu.memory_space<hbm>>, %arg6: memref<2x10000x128xf32, #tpu.memory_space<hbm>>, %arg7: memref<80xi32, #tpu.memory_space<vmem>>, %arg8: memref<80xi32, #tpu.memory_space<vmem>>, %arg9: memref<80x128xf32, #tpu.memory_space<vmem>>, %arg10: memref<10000x128xf32, #tpu.memory_space<vmem_shared>>, %arg11: memref<!tpu.dma_semaphore, #tpu.memory_space<semaphore_mem>>) attributes {dimension_semantics = [#tpu.dimension_semantics<core_parallel>, #tpu.dimension_semantics<subcore_parallel>], iteration_bounds = array<i64: 2, 16>, scalar_prefetch = 0 : i64, scratch_operands = 5 : i64, tpu.core_type = #tpu.core_type<sc_vector_subcore>, window_params = [{transform_indices = #map}, {transform_indices = #map1}, {transform_indices = #map1}, {transform_indices = #map}, {transform_indices = #map2}]} {
    %mul3A = arith.constant 624 : i32
    %mul3A_0 = arith.muli %arg1, %mul3A : i32
    %lt3A = arith.constant 15 : i32
    %lt3A_1 = arith.cmpi slt, %arg1, %lt3A : i32
    %convert_element_type3A = arith.extui %lt3A_1 : i1 to i32
    %cond3A = arith.constant 0 : i32
    %cond3A_2 = arith.cmpi ne, %convert_element_type3A, %cond3A : i32
    scf.if %cond3A_2 {
      "tpu.region"() ({
        %run_scoped3A = tpu.sem_alloc : memref<!tpu.dma_semaphore, #tpu.memory_space<semaphore_mem>>
        %dma_start3A = arith.constant 0 : i32
        %dma_start3A_27 = tpu.memref_slice %arg10[%mul3A_0, %dma_start3A] : memref<10000x128xf32, #tpu.memory_space<vmem_shared>> -> memref<624x128xf32, #tpu.memory_space<vmem_shared>>
        %dma_start3A_28 = arith.constant 0 : i32
        %dma_start3A_29 = arith.constant 0 : i32
        %dma_start3A_30 = tpu.memref_slice %arg5[%dma_start3A_28, %dma_start3A_29] : memref<640x128xf32, #tpu.memory_space<hbm>> -> memref<624x128xf32, #tpu.memory_space<hbm>>
        tpu.enqueue_dma source(%dma_start3A_30 : memref<624x128xf32, #tpu.memory_space<hbm>>) target(%dma_start3A_27 : memref<624x128xf32, #tpu.memory_space<vmem_shared>>) target_semaphore(%run_scoped3A : memref<!tpu.dma_semaphore, #tpu.memory_space<semaphore_mem>>)
        %dma_wait3A = arith.constant 0 : i32
        %dma_wait3A_31 = tpu.memref_slice %arg10[%mul3A_0, %dma_wait3A] : memref<10000x128xf32, #tpu.memory_space<vmem_shared>> -> memref<624x128xf32, #tpu.memory_space<vmem_shared>>
        %dma_wait3A_32 = arith.constant 0 : i32
        %dma_wait3A_33 = arith.constant 0 : i32
        %dma_wait3A_34 = tpu.memref_slice %arg5[%dma_wait3A_32, %dma_wait3A_33] : memref<640x128xf32, #tpu.memory_space<hbm>> -> memref<624x128xf32, #tpu.memory_space<hbm>>
        tpu.wait_dma2 semaphore(%run_scoped3A : memref<!tpu.dma_semaphore, #tpu.memory_space<semaphore_mem>>) src(%dma_wait3A_34 : memref<624x128xf32, #tpu.memory_space<hbm>>) dst(%dma_wait3A_31 : memref<624x128xf32, #tpu.memory_space<vmem_shared>>)
        tpu.yield
      }) : () -> ()
    } else {
    }
    %eq3A = arith.constant 15 : i32
    %eq3A_3 = arith.cmpi eq, %arg1, %eq3A : i32
    %convert_element_type3A_4 = arith.extui %eq3A_3 : i1 to i32
    %cond3A_5 = arith.constant 0 : i32
    %cond3A_6 = arith.cmpi ne, %convert_element_type3A_4, %cond3A_5 : i32
    scf.if %cond3A_6 {
      "tpu.region"() ({
        %run_scoped3A = tpu.sem_alloc : memref<!tpu.dma_semaphore, #tpu.memory_space<semaphore_mem>>
        %dma_start3A = arith.constant 0 : i32
        %dma_start3A_27 = tpu.memref_slice %arg10[%mul3A_0, %dma_start3A] : memref<10000x128xf32, #tpu.memory_space<vmem_shared>> -> memref<640x128xf32, #tpu.memory_space<vmem_shared>>
        tpu.enqueue_dma source(%arg5 : memref<640x128xf32, #tpu.memory_space<hbm>>) target(%dma_start3A_27 : memref<640x128xf32, #tpu.memory_space<vmem_shared>>) target_semaphore(%run_scoped3A : memref<!tpu.dma_semaphore, #tpu.memory_space<semaphore_mem>>)
        %dma_wait3A = arith.constant 0 : i32
        %dma_wait3A_28 = tpu.memref_slice %arg10[%mul3A_0, %dma_wait3A] : memref<10000x128xf32, #tpu.memory_space<vmem_shared>> -> memref<640x128xf32, #tpu.memory_space<vmem_shared>>
        tpu.wait_dma2 semaphore(%run_scoped3A : memref<!tpu.dma_semaphore, #tpu.memory_space<semaphore_mem>>) src(%arg5 : memref<640x128xf32, #tpu.memory_space<hbm>>) dst(%dma_wait3A_28 : memref<640x128xf32, #tpu.memory_space<vmem_shared>>)
        tpu.yield
      }) : () -> ()
    } else {
    }
    %barrier3A = arith.constant 0 : index
    tpu.barrier barrier_id(%barrier3A)
    %mul3A_7 = arith.constant 16 : i32
    %mul3A_8 = arith.muli %arg0, %mul3A_7 : i32
    %add3A = arith.addi %mul3A_8, %arg1 : i32
    %mul3A_9 = arith.constant 10000 : i32
    %mul3A_10 = arith.muli %add3A, %mul3A_9 : i32
    %scan3A = arith.constant 0 : i32
    %scan3A_11 = arith.constant 0 : i32
    %scan3A_12 = arith.constant 125 : i32
    %scan3A_13 = arith.addi %scan3A_11, %scan3A_12 : i32
    %scan3A_14 = arith.constant 1 : i32
    scf.for %scan3A_27 = %scan3A_11 to %scan3A_13 step %scan3A_14  : i32 {
      %mul3A_28 = arith.constant 80 : i32
      %mul3A_29 = arith.muli %scan3A_27, %mul3A_28 : i32
      %add3A_30 = arith.addi %mul3A_10, %mul3A_29 : i32
      "tpu.region"() ({
        %run_scoped3A = tpu.sem_alloc : memref<!tpu.dma_semaphore, #tpu.memory_space<semaphore_mem>>
        %dma_start3A_35 = tpu.memref_slice %arg3[%add3A_30] : memref<320000xi32, #tpu.memory_space<hbm>> -> memref<80xi32, #tpu.memory_space<hbm>>
        %dma_start3A_36 = tpu.memref_slice %arg3[%add3A_30] : memref<320000xi32, #tpu.memory_space<hbm>> -> memref<80xi32, #tpu.memory_space<hbm>>
        tpu.enqueue_dma source(%dma_start3A_36 : memref<80xi32, #tpu.memory_space<hbm>>) target(%arg7 : memref<80xi32, #tpu.memory_space<vmem>>) target_semaphore(%run_scoped3A : memref<!tpu.dma_semaphore, #tpu.memory_space<semaphore_mem>>)
        %dma_wait3A_37 = tpu.memref_slice %arg3[%add3A_30] : memref<320000xi32, #tpu.memory_space<hbm>> -> memref<80xi32, #tpu.memory_space<hbm>>
        %dma_wait3A_38 = tpu.memref_slice %arg3[%add3A_30] : memref<320000xi32, #tpu.memory_space<hbm>> -> memref<80xi32, #tpu.memory_space<hbm>>
        tpu.wait_dma2 semaphore(%run_scoped3A : memref<!tpu.dma_semaphore, #tpu.memory_space<semaphore_mem>>) src(%dma_wait3A_38 : memref<80xi32, #tpu.memory_space<hbm>>) dst(%arg7 : memref<80xi32, #tpu.memory_space<vmem>>)
        tpu.yield
      }) : () -> ()
      "tpu.region"() ({
        %run_scoped3A = tpu.sem_alloc : memref<!tpu.dma_semaphore, #tpu.memory_space<semaphore_mem>>
        %dma_start3A_35 = tpu.memref_slice %arg4[%add3A_30] : memref<320000xi32, #tpu.memory_space<hbm>> -> memref<80xi32, #tpu.memory_space<hbm>>
        %dma_start3A_36 = tpu.memref_slice %arg4[%add3A_30] : memref<320000xi32, #tpu.memory_space<hbm>> -> memref<80xi32, #tpu.memory_space<hbm>>
        tpu.enqueue_dma source(%dma_start3A_36 : memref<80xi32, #tpu.memory_space<hbm>>) target(%arg8 : memref<80xi32, #tpu.memory_space<vmem>>) target_semaphore(%run_scoped3A : memref<!tpu.dma_semaphore, #tpu.memory_space<semaphore_mem>>)
        %dma_wait3A_37 = tpu.memref_slice %arg4[%add3A_30] : memref<320000xi32, #tpu.memory_space<hbm>> -> memref<80xi32, #tpu.memory_space<hbm>>
        %dma_wait3A_38 = tpu.memref_slice %arg4[%add3A_30] : memref<320000xi32, #tpu.memory_space<hbm>> -> memref<80xi32, #tpu.memory_space<hbm>>
        tpu.wait_dma2 semaphore(%run_scoped3A : memref<!tpu.dma_semaphore, #tpu.memory_space<semaphore_mem>>) src(%dma_wait3A_38 : memref<80xi32, #tpu.memory_space<hbm>>) dst(%arg8 : memref<80xi32, #tpu.memory_space<vmem>>)
        tpu.yield
      }) : () -> ()
      %dma_start3A = arith.constant 0 : i32
      %dma_start3A_31 = arith.constant 0 : i32
      %dma_start3A_32 = tpu.memref_slice %arg2[%dma_start3A, %dma_start3A_31] : memref<10000x128xf32, #tpu.memory_space<hbm>> -> memref<10000x128xf32, #tpu.memory_space<hbm>>
      tpu.enqueue_indirect_dma source(%dma_start3A_32 : memref<10000x128xf32, #tpu.memory_space<hbm>>) target(%arg9 : memref<80x128xf32, #tpu.memory_space<vmem>>) offsets(%arg7 : memref<80xi32, #tpu.memory_space<vmem>>) semaphore(%arg11 : memref<!tpu.dma_semaphore, #tpu.memory_space<semaphore_mem>>)
      %dma_wait3A = arith.constant 0 : i32
      %dma_wait3A_33 = arith.constant 0 : i32
      %dma_wait3A_34 = tpu.memref_slice %arg2[%dma_wait3A, %dma_wait3A_33] : memref<10000x128xf32, #tpu.memory_space<hbm>> -> memref<10000x128xf32, #tpu.memory_space<hbm>>
      tpu.wait_indirect_dma semaphore(%arg11 : memref<!tpu.dma_semaphore, #tpu.memory_space<semaphore_mem>>) src(%dma_wait3A_34 : memref<10000x128xf32, #tpu.memory_space<hbm>>) dst(%arg9 : memref<80x128xf32, #tpu.memory_space<vmem>>)
      "tpu.region"() ({
        %run_scoped3A = tpu.sem_alloc : memref<!tpu.dma_semaphore, #tpu.memory_space<semaphore_mem>>
        %dma_start3A_35 = arith.constant 0 : i32
        %dma_start3A_36 = arith.constant 0 : i32
        %dma_start3A_37 = tpu.memref_slice %arg10[%dma_start3A_35, %dma_start3A_36] : memref<10000x128xf32, #tpu.memory_space<vmem_shared>> -> memref<10000x128xf32, #tpu.memory_space<vmem_shared>>
        tpu.enqueue_indirect_dma source(%arg9 : memref<80x128xf32, #tpu.memory_space<vmem>>) target(%dma_start3A_37 : memref<10000x128xf32, #tpu.memory_space<vmem_shared>>) offsets(%arg8 : memref<80xi32, #tpu.memory_space<vmem>>) semaphore(%run_scoped3A : memref<!tpu.dma_semaphore, #tpu.memory_space<semaphore_mem>>) {add = true}
        %dma_wait3A_38 = arith.constant 0 : i32
        %dma_wait3A_39 = arith.constant 0 : i32
        %dma_wait3A_40 = tpu.memref_slice %arg10[%dma_wait3A_38, %dma_wait3A_39] : memref<10000x128xf32, #tpu.memory_space<vmem_shared>> -> memref<10000x128xf32, #tpu.memory_space<vmem_shared>>
        tpu.wait_indirect_dma semaphore(%run_scoped3A : memref<!tpu.dma_semaphore, #tpu.memory_space<semaphore_mem>>) src(%arg9 : memref<80x128xf32, #tpu.memory_space<vmem>>) dst(%dma_wait3A_40 : memref<10000x128xf32, #tpu.memory_space<vmem_shared>>)
        tpu.yield
      }) : () -> ()
    }
    %scan3A_15 = arith.constant 125 : i32
    %barrier3A_16 = arith.constant 0 : index
    tpu.barrier barrier_id(%barrier3A_16)
    %lt3A_17 = arith.constant 15 : i32
    %lt3A_18 = arith.cmpi slt, %arg1, %lt3A_17 : i32
    %convert_element_type3A_19 = arith.extui %lt3A_18 : i1 to i32
    %cond3A_20 = arith.constant 0 : i32
    %cond3A_21 = arith.cmpi ne, %convert_element_type3A_19, %cond3A_20 : i32
    scf.if %cond3A_21 {
      "tpu.region"() ({
        %run_scoped3A = tpu.sem_alloc : memref<!tpu.dma_semaphore, #tpu.memory_space<semaphore_mem>>
        %dma_start3A = arith.constant 0 : i32
        %dma_start3A_27 = tpu.memref_slice %arg6[%arg0, %mul3A_0, %dma_start3A] : memref<2x10000x128xf32, #tpu.memory_space<hbm>> -> memref<1x624x128xf32, #tpu.memory_space<hbm>>
        %dma_start3A_28 = tpu.memref_squeeze %dma_start3A_27 : memref<1x624x128xf32, #tpu.memory_space<hbm>> -> memref<624x128xf32, #tpu.memory_space<hbm>>
        %dma_start3A_29 = arith.constant 0 : i32
        %dma_start3A_30 = tpu.memref_slice %arg10[%mul3A_0, %dma_start3A_29] : memref<10000x128xf32, #tpu.memory_space<vmem_shared>> -> memref<624x128xf32, #tpu.memory_space<vmem_shared>>
        tpu.enqueue_dma source(%dma_start3A_30 : memref<624x128xf32, #tpu.memory_space<vmem_shared>>) target(%dma_start3A_28 : memref<624x128xf32, #tpu.memory_space<hbm>>) target_semaphore(%run_scoped3A : memref<!tpu.dma_semaphore, #tpu.memory_space<semaphore_mem>>)
        %dma_wait3A = arith.constant 0 : i32
        %dma_wait3A_31 = tpu.memref_slice %arg6[%arg0, %mul3A_0, %dma_wait3A] : memref<2x10000x128xf32, #tpu.memory_space<hbm>> -> memref<1x624x128xf32, #tpu.memory_space<hbm>>
        %dma_wait3A_32 = tpu.memref_squeeze %dma_wait3A_31 : memref<1x624x128xf32, #tpu.memory_space<hbm>> -> memref<624x128xf32, #tpu.memory_space<hbm>>
        %dma_wait3A_33 = arith.constant 0 : i32
        %dma_wait3A_34 = tpu.memref_slice %arg10[%mul3A_0, %dma_wait3A_33] : memref<10000x128xf32, #tpu.memory_space<vmem_shared>> -> memref<624x128xf32, #tpu.memory_space<vmem_shared>>
        tpu.wait_dma2 semaphore(%run_scoped3A : memref<!tpu.dma_semaphore, #tpu.memory_space<semaphore_mem>>) src(%dma_wait3A_34 : memref<624x128xf32, #tpu.memory_space<vmem_shared>>) dst(%dma_wait3A_32 : memref<624x128xf32, #tpu.memory_space<hbm>>)
        tpu.yield
      }) : () -> ()
    } else {
    }
    %eq3A_22 = arith.constant 15 : i32
    %eq3A_23 = arith.cmpi eq, %arg1, %eq3A_22 : i32
    %convert_element_type3A_24 = arith.extui %eq3A_23 : i1 to i32
    %cond3A_25 = arith.constant 0 : i32
    %cond3A_26 = arith.cmpi ne, %convert_element_type3A_24, %cond3A_25 : i32
    scf.if %cond3A_26 {
      "tpu.region"() ({
        %run_scoped3A = tpu.sem_alloc : memref<!tpu.dma_semaphore, #tpu.memory_space<semaphore_mem>>
        %dma_start3A = arith.constant 0 : i32
        %dma_start3A_27 = tpu.memref_slice %arg6[%arg0, %mul3A_0, %dma_start3A] : memref<2x10000x128xf32, #tpu.memory_space<hbm>> -> memref<1x640x128xf32, #tpu.memory_space<hbm>>
        %dma_start3A_28 = tpu.memref_squeeze %dma_start3A_27 : memref<1x640x128xf32, #tpu.memory_space<hbm>> -> memref<640x128xf32, #tpu.memory_space<hbm>>
        %dma_start3A_29 = arith.constant 0 : i32
        %dma_start3A_30 = tpu.memref_slice %arg10[%mul3A_0, %dma_start3A_29] : memref<10000x128xf32, #tpu.memory_space<vmem_shared>> -> memref<640x128xf32, #tpu.memory_space<vmem_shared>>
        tpu.enqueue_dma source(%dma_start3A_30 : memref<640x128xf32, #tpu.memory_space<vmem_shared>>) target(%dma_start3A_28 : memref<640x128xf32, #tpu.memory_space<hbm>>) target_semaphore(%run_scoped3A : memref<!tpu.dma_semaphore, #tpu.memory_space<semaphore_mem>>)
        %dma_wait3A = arith.constant 0 : i32
        %dma_wait3A_31 = tpu.memref_slice %arg6[%arg0, %mul3A_0, %dma_wait3A] : memref<2x10000x128xf32, #tpu.memory_space<hbm>> -> memref<1x640x128xf32, #tpu.memory_space<hbm>>
        %dma_wait3A_32 = tpu.memref_squeeze %dma_wait3A_31 : memref<1x640x128xf32, #tpu.memory_space<hbm>> -> memref<640x128xf32, #tpu.memory_space<hbm>>
        %dma_wait3A_33 = arith.constant 0 : i32
        %dma_wait3A_34 = tpu.memref_slice %arg10[%mul3A_0, %dma_wait3A_33] : memref<10000x128xf32, #tpu.memory_space<vmem_shared>> -> memref<640x128xf32, #tpu.memory_space<vmem_shared>>
        tpu.wait_dma2 semaphore(%run_scoped3A : memref<!tpu.dma_semaphore, #tpu.memory_space<semaphore_mem>>) src(%dma_wait3A_34 : memref<640x128xf32, #tpu.memory_space<vmem_shared>>) dst(%dma_wait3A_32 : memref<640x128xf32, #tpu.memory_space<hbm>>)
        tpu.yield
      }) : () -> ()
    } else {
    }
    return
  }
}

#map = affine_map<(d0, d1) -> (0, 0)>
#map1 = affine_map<(d0, d1) -> (0)>
#map2 = affine_map<(d0, d1) -> (0, 0, 0)>
module attributes {stable_mosaic.version = 14 : i64} {
  func.func @_agg_sc(%arg0: i32, %arg1: i32, %arg2: memref<10000x128xf32, #tpu.memory_space<hbm>>, %arg3: memref<320000xi32, #tpu.memory_space<hbm>>, %arg4: memref<320000xi32, #tpu.memory_space<hbm>>, %arg5: memref<640x128xf32, #tpu.memory_space<hbm>>, %arg6: memref<2x10000x128xf32, #tpu.memory_space<hbm>>, %arg7: memref<80xi32, #tpu.memory_space<vmem>>, %arg8: memref<80xi32, #tpu.memory_space<vmem>>, %arg9: memref<80x128xf32, #tpu.memory_space<vmem>>, %arg10: memref<10000x128xf32, #tpu.memory_space<vmem_shared>>, %arg11: memref<!tpu.dma_semaphore, #tpu.memory_space<semaphore_mem>>) attributes {dimension_semantics = [#tpu.dimension_semantics<core_parallel>, #tpu.dimension_semantics<subcore_parallel>], iteration_bounds = array<i64: 2, 16>, scalar_prefetch = 0 : i64, scratch_operands = 5 : i64, tpu.core_type = #tpu.core_type<sc_vector_subcore>, window_params = [{transform_indices = #map}, {transform_indices = #map1}, {transform_indices = #map1}, {transform_indices = #map}, {transform_indices = #map2}]} {
    %mul3A = arith.constant 624 : i32
    %mul3A_0 = arith.muli %arg1, %mul3A : i32
    %lt3A = arith.constant 15 : i32
    %lt3A_1 = arith.cmpi slt, %arg1, %lt3A : i32
    %convert_element_type3A = arith.extui %lt3A_1 : i1 to i32
    %cond3A = arith.constant 0 : i32
    %cond3A_2 = arith.cmpi ne, %convert_element_type3A, %cond3A : i32
    scf.if %cond3A_2 {
      "tpu.region"() ({
        %run_scoped3A = tpu.sem_alloc : memref<!tpu.dma_semaphore, #tpu.memory_space<semaphore_mem>>
        %dma_start3A = arith.constant 0 : i32
        %dma_start3A_27 = tpu.memref_slice %arg10[%mul3A_0, %dma_start3A] : memref<10000x128xf32, #tpu.memory_space<vmem_shared>> -> memref<624x128xf32, #tpu.memory_space<vmem_shared>>
        %dma_start3A_28 = arith.constant 0 : i32
        %dma_start3A_29 = arith.constant 0 : i32
        %dma_start3A_30 = tpu.memref_slice %arg5[%dma_start3A_28, %dma_start3A_29] : memref<640x128xf32, #tpu.memory_space<hbm>> -> memref<624x128xf32, #tpu.memory_space<hbm>>
        tpu.enqueue_dma source(%dma_start3A_30 : memref<624x128xf32, #tpu.memory_space<hbm>>) target(%dma_start3A_27 : memref<624x128xf32, #tpu.memory_space<vmem_shared>>) target_semaphore(%run_scoped3A : memref<!tpu.dma_semaphore, #tpu.memory_space<semaphore_mem>>)
        %dma_wait3A = arith.constant 0 : i32
        %dma_wait3A_31 = tpu.memref_slice %arg10[%mul3A_0, %dma_wait3A] : memref<10000x128xf32, #tpu.memory_space<vmem_shared>> -> memref<624x128xf32, #tpu.memory_space<vmem_shared>>
        %dma_wait3A_32 = arith.constant 0 : i32
        %dma_wait3A_33 = arith.constant 0 : i32
        %dma_wait3A_34 = tpu.memref_slice %arg5[%dma_wait3A_32, %dma_wait3A_33] : memref<640x128xf32, #tpu.memory_space<hbm>> -> memref<624x128xf32, #tpu.memory_space<hbm>>
        tpu.wait_dma2 semaphore(%run_scoped3A : memref<!tpu.dma_semaphore, #tpu.memory_space<semaphore_mem>>) src(%dma_wait3A_34 : memref<624x128xf32, #tpu.memory_space<hbm>>) dst(%dma_wait3A_31 : memref<624x128xf32, #tpu.memory_space<vmem_shared>>)
        tpu.yield
      }) : () -> ()
    } else {
    }
    %eq3A = arith.constant 15 : i32
    %eq3A_3 = arith.cmpi eq, %arg1, %eq3A : i32
    %convert_element_type3A_4 = arith.extui %eq3A_3 : i1 to i32
    %cond3A_5 = arith.constant 0 : i32
    %cond3A_6 = arith.cmpi ne, %convert_element_type3A_4, %cond3A_5 : i32
    scf.if %cond3A_6 {
      "tpu.region"() ({
        %run_scoped3A = tpu.sem_alloc : memref<!tpu.dma_semaphore, #tpu.memory_space<semaphore_mem>>
        %dma_start3A = arith.constant 0 : i32
        %dma_start3A_27 = tpu.memref_slice %arg10[%mul3A_0, %dma_start3A] : memref<10000x128xf32, #tpu.memory_space<vmem_shared>> -> memref<640x128xf32, #tpu.memory_space<vmem_shared>>
        tpu.enqueue_dma source(%arg5 : memref<640x128xf32, #tpu.memory_space<hbm>>) target(%dma_start3A_27 : memref<640x128xf32, #tpu.memory_space<vmem_shared>>) target_semaphore(%run_scoped3A : memref<!tpu.dma_semaphore, #tpu.memory_space<semaphore_mem>>)
        %dma_wait3A = arith.constant 0 : i32
        %dma_wait3A_28 = tpu.memref_slice %arg10[%mul3A_0, %dma_wait3A] : memref<10000x128xf32, #tpu.memory_space<vmem_shared>> -> memref<640x128xf32, #tpu.memory_space<vmem_shared>>
        tpu.wait_dma2 semaphore(%run_scoped3A : memref<!tpu.dma_semaphore, #tpu.memory_space<semaphore_mem>>) src(%arg5 : memref<640x128xf32, #tpu.memory_space<hbm>>) dst(%dma_wait3A_28 : memref<640x128xf32, #tpu.memory_space<vmem_shared>>)
        tpu.yield
      }) : () -> ()
    } else {
    }
    %barrier3A = arith.constant 0 : index
    tpu.barrier barrier_id(%barrier3A)
    %mul3A_7 = arith.constant 16 : i32
    %mul3A_8 = arith.muli %arg0, %mul3A_7 : i32
    %add3A = arith.addi %mul3A_8, %arg1 : i32
    %mul3A_9 = arith.constant 10000 : i32
    %mul3A_10 = arith.muli %add3A, %mul3A_9 : i32
    %scan3A = arith.constant 0 : i32
    %scan3A_11 = arith.constant 0 : i32
    %scan3A_12 = arith.constant 125 : i32
    %scan3A_13 = arith.addi %scan3A_11, %scan3A_12 : i32
    %scan3A_14 = arith.constant 1 : i32
    scf.for %scan3A_27 = %scan3A_11 to %scan3A_13 step %scan3A_14  : i32 {
      %mul3A_28 = arith.constant 80 : i32
      %mul3A_29 = arith.muli %scan3A_27, %mul3A_28 : i32
      %add3A_30 = arith.addi %mul3A_10, %mul3A_29 : i32
      "tpu.region"() ({
        %run_scoped3A = tpu.sem_alloc : memref<!tpu.dma_semaphore, #tpu.memory_space<semaphore_mem>>
        %dma_start3A_35 = tpu.memref_slice %arg3[%add3A_30] : memref<320000xi32, #tpu.memory_space<hbm>> -> memref<80xi32, #tpu.memory_space<hbm>>
        %dma_start3A_36 = tpu.memref_slice %arg3[%add3A_30] : memref<320000xi32, #tpu.memory_space<hbm>> -> memref<80xi32, #tpu.memory_space<hbm>>
        tpu.enqueue_dma source(%dma_start3A_36 : memref<80xi32, #tpu.memory_space<hbm>>) target(%arg7 : memref<80xi32, #tpu.memory_space<vmem>>) target_semaphore(%run_scoped3A : memref<!tpu.dma_semaphore, #tpu.memory_space<semaphore_mem>>)
        %dma_wait3A_37 = tpu.memref_slice %arg3[%add3A_30] : memref<320000xi32, #tpu.memory_space<hbm>> -> memref<80xi32, #tpu.memory_space<hbm>>
        %dma_wait3A_38 = tpu.memref_slice %arg3[%add3A_30] : memref<320000xi32, #tpu.memory_space<hbm>> -> memref<80xi32, #tpu.memory_space<hbm>>
        tpu.wait_dma2 semaphore(%run_scoped3A : memref<!tpu.dma_semaphore, #tpu.memory_space<semaphore_mem>>) src(%dma_wait3A_38 : memref<80xi32, #tpu.memory_space<hbm>>) dst(%arg7 : memref<80xi32, #tpu.memory_space<vmem>>)
        tpu.yield
      }) : () -> ()
      "tpu.region"() ({
        %run_scoped3A = tpu.sem_alloc : memref<!tpu.dma_semaphore, #tpu.memory_space<semaphore_mem>>
        %dma_start3A_35 = tpu.memref_slice %arg4[%add3A_30] : memref<320000xi32, #tpu.memory_space<hbm>> -> memref<80xi32, #tpu.memory_space<hbm>>
        %dma_start3A_36 = tpu.memref_slice %arg4[%add3A_30] : memref<320000xi32, #tpu.memory_space<hbm>> -> memref<80xi32, #tpu.memory_space<hbm>>
        tpu.enqueue_dma source(%dma_start3A_36 : memref<80xi32, #tpu.memory_space<hbm>>) target(%arg8 : memref<80xi32, #tpu.memory_space<vmem>>) target_semaphore(%run_scoped3A : memref<!tpu.dma_semaphore, #tpu.memory_space<semaphore_mem>>)
        %dma_wait3A_37 = tpu.memref_slice %arg4[%add3A_30] : memref<320000xi32, #tpu.memory_space<hbm>> -> memref<80xi32, #tpu.memory_space<hbm>>
        %dma_wait3A_38 = tpu.memref_slice %arg4[%add3A_30] : memref<320000xi32, #tpu.memory_space<hbm>> -> memref<80xi32, #tpu.memory_space<hbm>>
        tpu.wait_dma2 semaphore(%run_scoped3A : memref<!tpu.dma_semaphore, #tpu.memory_space<semaphore_mem>>) src(%dma_wait3A_38 : memref<80xi32, #tpu.memory_space<hbm>>) dst(%arg8 : memref<80xi32, #tpu.memory_space<vmem>>)
        tpu.yield
      }) : () -> ()
      %dma_start3A = arith.constant 0 : i32
      %dma_start3A_31 = arith.constant 0 : i32
      %dma_start3A_32 = tpu.memref_slice %arg2[%dma_start3A, %dma_start3A_31] : memref<10000x128xf32, #tpu.memory_space<hbm>> -> memref<10000x128xf32, #tpu.memory_space<hbm>>
      tpu.enqueue_indirect_dma source(%dma_start3A_32 : memref<10000x128xf32, #tpu.memory_space<hbm>>) target(%arg9 : memref<80x128xf32, #tpu.memory_space<vmem>>) offsets(%arg7 : memref<80xi32, #tpu.memory_space<vmem>>) semaphore(%arg11 : memref<!tpu.dma_semaphore, #tpu.memory_space<semaphore_mem>>)
      %dma_wait3A = arith.constant 0 : i32
      %dma_wait3A_33 = arith.constant 0 : i32
      %dma_wait3A_34 = tpu.memref_slice %arg2[%dma_wait3A, %dma_wait3A_33] : memref<10000x128xf32, #tpu.memory_space<hbm>> -> memref<10000x128xf32, #tpu.memory_space<hbm>>
      tpu.wait_indirect_dma semaphore(%arg11 : memref<!tpu.dma_semaphore, #tpu.memory_space<semaphore_mem>>) src(%dma_wait3A_34 : memref<10000x128xf32, #tpu.memory_space<hbm>>) dst(%arg9 : memref<80x128xf32, #tpu.memory_space<vmem>>)
      "tpu.region"() ({
        %run_scoped3A = tpu.sem_alloc : memref<!tpu.dma_semaphore, #tpu.memory_space<semaphore_mem>>
        %dma_start3A_35 = arith.constant 0 : i32
        %dma_start3A_36 = arith.constant 0 : i32
        %dma_start3A_37 = tpu.memref_slice %arg10[%dma_start3A_35, %dma_start3A_36] : memref<10000x128xf32, #tpu.memory_space<vmem_shared>> -> memref<10000x128xf32, #tpu.memory_space<vmem_shared>>
        tpu.enqueue_indirect_dma source(%arg9 : memref<80x128xf32, #tpu.memory_space<vmem>>) target(%dma_start3A_37 : memref<10000x128xf32, #tpu.memory_space<vmem_shared>>) offsets(%arg8 : memref<80xi32, #tpu.memory_space<vmem>>) semaphore(%run_scoped3A : memref<!tpu.dma_semaphore, #tpu.memory_space<semaphore_mem>>) {add = true}
        %dma_wait3A_38 = arith.constant 0 : i32
        %dma_wait3A_39 = arith.constant 0 : i32
        %dma_wait3A_40 = tpu.memref_slice %arg10[%dma_wait3A_38, %dma_wait3A_39] : memref<10000x128xf32, #tpu.memory_space<vmem_shared>> -> memref<10000x128xf32, #tpu.memory_space<vmem_shared>>
        tpu.wait_indirect_dma semaphore(%run_scoped3A : memref<!tpu.dma_semaphore, #tpu.memory_space<semaphore_mem>>) src(%arg9 : memref<80x128xf32, #tpu.memory_space<vmem>>) dst(%dma_wait3A_40 : memref<10000x128xf32, #tpu.memory_space<vmem_shared>>)
        tpu.yield
      }) : () -> ()
    }
    %scan3A_15 = arith.constant 125 : i32
    %barrier3A_16 = arith.constant 0 : index
    tpu.barrier barrier_id(%barrier3A_16)
    %lt3A_17 = arith.constant 15 : i32
    %lt3A_18 = arith.cmpi slt, %arg1, %lt3A_17 : i32
    %convert_element_type3A_19 = arith.extui %lt3A_18 : i1 to i32
    %cond3A_20 = arith.constant 0 : i32
    %cond3A_21 = arith.cmpi ne, %convert_element_type3A_19, %cond3A_20 : i32
    scf.if %cond3A_21 {
      "tpu.region"() ({
        %run_scoped3A = tpu.sem_alloc : memref<!tpu.dma_semaphore, #tpu.memory_space<semaphore_mem>>
        %dma_start3A = arith.constant 0 : i32
        %dma_start3A_27 = tpu.memref_slice %arg6[%arg0, %mul3A_0, %dma_start3A] : memref<2x10000x128xf32, #tpu.memory_space<hbm>> -> memref<1x624x128xf32, #tpu.memory_space<hbm>>
        %dma_start3A_28 = tpu.memref_squeeze %dma_start3A_27 : memref<1x624x128xf32, #tpu.memory_space<hbm>> -> memref<624x128xf32, #tpu.memory_space<hbm>>
        %dma_start3A_29 = arith.constant 0 : i32
        %dma_start3A_30 = tpu.memref_slice %arg10[%mul3A_0, %dma_start3A_29] : memref<10000x128xf32, #tpu.memory_space<vmem_shared>> -> memref<624x128xf32, #tpu.memory_space<vmem_shared>>
        tpu.enqueue_dma source(%dma_start3A_30 : memref<624x128xf32, #tpu.memory_space<vmem_shared>>) target(%dma_start3A_28 : memref<624x128xf32, #tpu.memory_space<hbm>>) target_semaphore(%run_scoped3A : memref<!tpu.dma_semaphore, #tpu.memory_space<semaphore_mem>>)
        %dma_wait3A = arith.constant 0 : i32
        %dma_wait3A_31 = tpu.memref_slice %arg6[%arg0, %mul3A_0, %dma_wait3A] : memref<2x10000x128xf32, #tpu.memory_space<hbm>> -> memref<1x624x128xf32, #tpu.memory_space<hbm>>
        %dma_wait3A_32 = tpu.memref_squeeze %dma_wait3A_31 : memref<1x624x128xf32, #tpu.memory_space<hbm>> -> memref<624x128xf32, #tpu.memory_space<hbm>>
        %dma_wait3A_33 = arith.constant 0 : i32
        %dma_wait3A_34 = tpu.memref_slice %arg10[%mul3A_0, %dma_wait3A_33] : memref<10000x128xf32, #tpu.memory_space<vmem_shared>> -> memref<624x128xf32, #tpu.memory_space<vmem_shared>>
        tpu.wait_dma2 semaphore(%run_scoped3A : memref<!tpu.dma_semaphore, #tpu.memory_space<semaphore_mem>>) src(%dma_wait3A_34 : memref<624x128xf32, #tpu.memory_space<vmem_shared>>) dst(%dma_wait3A_32 : memref<624x128xf32, #tpu.memory_space<hbm>>)
        tpu.yield
      }) : () -> ()
    } else {
    }
    %eq3A_22 = arith.constant 15 : i32
    %eq3A_23 = arith.cmpi eq, %arg1, %eq3A_22 : i32
    %convert_element_type3A_24 = arith.extui %eq3A_23 : i1 to i32
    %cond3A_25 = arith.constant 0 : i32
    %cond3A_26 = arith.cmpi ne, %convert_element_type3A_24, %cond3A_25 : i32
    scf.if %cond3A_26 {
      "tpu.region"() ({
        %run_scoped3A = tpu.sem_alloc : memref<!tpu.dma_semaphore, #tpu.memory_space<semaphore_mem>>
        %dma_start3A = arith.constant 0 : i32
        %dma_start3A_27 = tpu.memref_slice %arg6[%arg0, %mul3A_0, %dma_start3A] : memref<2x10000x128xf32, #tpu.memory_space<hbm>> -> memref<1x640x128xf32, #tpu.memory_space<hbm>>
        %dma_start3A_28 = tpu.memref_squeeze %dma_start3A_27 : memref<1x640x128xf32, #tpu.memory_space<hbm>> -> memref<640x128xf32, #tpu.memory_space<hbm>>
        %dma_start3A_29 = arith.constant 0 : i32
        %dma_start3A_30 = tpu.memref_slice %arg10[%mul3A_0, %dma_start3A_29] : memref<10000x128xf32, #tpu.memory_space<vmem_shared>> -> memref<640x128xf32, #tpu.memory_space<vmem_shared>>
        tpu.enqueue_dma source(%dma_start3A_30 : memref<640x128xf32, #tpu.memory_space<vmem_shared>>) target(%dma_start3A_28 : memref<640x128xf32, #tpu.memory_space<hbm>>) target_semaphore(%run_scoped3A : memref<!tpu.dma_semaphore, #tpu.memory_space<semaphore_mem>>)
        %dma_wait3A = arith.constant 0 : i32
        %dma_wait3A_31 = tpu.memref_slice %arg6[%arg0, %mul3A_0, %dma_wait3A] : memref<2x10000x128xf32, #tpu.memory_space<hbm>> -> memref<1x640x128xf32, #tpu.memory_space<hbm>>
        %dma_wait3A_32 = tpu.memref_squeeze %dma_wait3A_31 : memref<1x640x128xf32, #tpu.memory_space<hbm>> -> memref<640x128xf32, #tpu.memory_space<hbm>>
        %dma_wait3A_33 = arith.constant 0 : i32
        %dma_wait3A_34 = tpu.memref_slice %arg10[%mul3A_0, %dma_wait3A_33] : memref<10000x128xf32, #tpu.memory_space<vmem_shared>> -> memref<640x128xf32, #tpu.memory_space<vmem_shared>>
        tpu.wait_dma2 semaphore(%run_scoped3A : memref<!tpu.dma_semaphore, #tpu.memory_space<semaphore_mem>>) src(%dma_wait3A_34 : memref<640x128xf32, #tpu.memory_space<vmem_shared>>) dst(%dma_wait3A_32 : memref<640x128xf32, #tpu.memory_space<hbm>>)
        tpu.yield
      }) : () -> ()
    } else {
    }
    return
  }
}

module attributes {stable_mosaic.version = 14 : i64} {
  func.func @_tc1_body(%arg0: i32, %arg1: memref<1000x1xf32, #tpu.memory_space<vmem>>, %arg2: memref<1000x128xf32, #tpu.memory_space<vmem>>, %arg3: memref<128x128xf32, #tpu.memory_space<vmem>>, %arg4: memref<1000x128xf32, #tpu.memory_space<vmem>>, %arg5: memref<1000x1xf32, #tpu.memory_space<vmem>>) attributes {dimension_semantics = [#tpu.dimension_semantics<arbitrary>], iteration_bounds = array<i64: 10>, scalar_prefetch = 0 : i64, scratch_operands = 0 : i64, tpu.core_type = #tpu.core_type<tc>, window_params = [{transform_indices = @transform_0, window_bounds = array<i64: 1000, 1>}, {transform_indices = @transform_1, window_bounds = array<i64: 1000, 128>}, {pipeline_mode = #tpu.pipeline_mode<synchronous>, transform_indices = @transform_2, window_bounds = array<i64: 128, 128>}, {transform_indices = @transform_3, window_bounds = array<i64: 1000, 128>}, {transform_indices = @transform_4, window_bounds = array<i64: 1000, 1>}]} {
    %get3A = arith.constant 0 : index
    %get3A_0 = arith.constant 0 : index
    %get3A_1 = vector.load %arg1[%get3A, %get3A_0] : memref<1000x1xf32, #tpu.memory_space<vmem>>, vector<1000x1xf32>
    %add3A = arith.constant 1.000000e+00 : f32
    %add3A_2 = vector.broadcast %add3A : f32 to vector<1000x1xf32>
    %add3A_3 = arith.addf %get3A_1, %add3A_2 : vector<1000x1xf32>
    %rsqrt3A = math.rsqrt %add3A_3 : vector<1000x1xf32>
    %get3A_4 = arith.constant 0 : index
    %get3A_5 = arith.constant 0 : index
    %get3A_6 = vector.load %arg2[%get3A_4, %get3A_5] : memref<1000x128xf32, #tpu.memory_space<vmem>>, vector<1000x128xf32>
    %get3A_7 = arith.constant 0 : index
    %get3A_8 = arith.constant 0 : index
    %get3A_9 = vector.load %arg3[%get3A_7, %get3A_8] : memref<128x128xf32, #tpu.memory_space<vmem>>, vector<128x128xf32>
    %dot_general3A = arith.constant dense<0.000000e+00> : vector<1000x128xf32>
    %dot_general3A_10 = tpu.matmul %get3A_6, %get3A_9, %dot_general3A {dimension_numbers = #tpu.dot_dimension_numbers<[1], [0], [0], [1], [0, 0, 1, 1], [], []>, transpose_lhs_hint = false} : vector<1000x128xf32>, vector<128x128xf32>, vector<1000x128xf32> -> vector<1000x128xf32>
    %mul3A = vector.broadcast %rsqrt3A : vector<1000x1xf32> to vector<1000x128xf32>
    %mul3A_11 = arith.mulf %mul3A, %dot_general3A_10 : vector<1000x128xf32>
    %swap3A = arith.constant 0 : index
    %swap3A_12 = arith.constant 0 : index
    %swap3A_13 = vector.load %arg4[%swap3A, %swap3A_12] : memref<1000x128xf32, #tpu.memory_space<vmem>>, vector<1000x128xf32>
    tpu.vector_store %arg4[%swap3A, %swap3A_12], %mul3A_11 {strides = array<i32>} : memref<1000x128xf32, #tpu.memory_space<vmem>>, vector<1000x128xf32>,
    %swap3A_14 = arith.constant 0 : index
    %swap3A_15 = arith.constant 0 : index
    %swap3A_16 = vector.load %arg5[%swap3A_14, %swap3A_15] : memref<1000x1xf32, #tpu.memory_space<vmem>>, vector<1000x1xf32>
    tpu.vector_store %arg5[%swap3A_14, %swap3A_15], %rsqrt3A {strides = array<i32>} : memref<1000x1xf32, #tpu.memory_space<vmem>>, vector<1000x1xf32>,
    return
  }
  func.func @transform_0(%arg0: i32) -> (i32, i32) {
    %c0_i32 = arith.constant 0 : i32
    %c0_i32_0 = arith.constant 0 : i32
    return %arg0, %c0_i32 : i32, i32
  }
  func.func @transform_1(%arg0: i32) -> (i32, i32) {
    %c0_i32 = arith.constant 0 : i32
    %c0_i32_0 = arith.constant 0 : i32
    return %arg0, %c0_i32 : i32, i32
  }
  func.func @transform_2(%arg0: i32) -> (i32, i32) {
    %c0_i32 = arith.constant 0 : i32
    %c0_i32_0 = arith.constant 0 : i32
    %c0_i32_1 = arith.constant 0 : i32
    return %c0_i32, %c0_i32_0 : i32, i32
  }
  func.func @transform_3(%arg0: i32) -> (i32, i32) {
    %c0_i32 = arith.constant 0 : i32
    %c0_i32_0 = arith.constant 0 : i32
    return %arg0, %c0_i32 : i32, i32
  }
  func.func @transform_4(%arg0: i32) -> (i32, i32) {
    %c0_i32 = arith.constant 0 : i32
    %c0_i32_0 = arith.constant 0 : i32
    return %arg0, %c0_i32 : i32, i32
  }
}

module attributes {stable_mosaic.version = 14 : i64} {
  func.func @_tc_mid_body(%arg0: i32, %arg1: memref<2x1000x128xf32, #tpu.memory_space<vmem>>, %arg2: memref<1000x128xf32, #tpu.memory_space<vmem>>, %arg3: memref<1000x1xf32, #tpu.memory_space<vmem>>, %arg4: memref<1x128xf32, #tpu.memory_space<vmem>>, %arg5: memref<128x128xf32, #tpu.memory_space<vmem>>, %arg6: memref<1000x128xf32, #tpu.memory_space<vmem>>) attributes {dimension_semantics = [#tpu.dimension_semantics<arbitrary>], iteration_bounds = array<i64: 10>, scalar_prefetch = 0 : i64, scratch_operands = 0 : i64, tpu.core_type = #tpu.core_type<tc>, window_params = [{transform_indices = @transform_0, window_bounds = array<i64: 2, 1000, 128>}, {transform_indices = @transform_1, window_bounds = array<i64: 1000, 128>}, {transform_indices = @transform_2, window_bounds = array<i64: 1000, 1>}, {pipeline_mode = #tpu.pipeline_mode<synchronous>, transform_indices = @transform_3, window_bounds = array<i64: 1, 128>}, {pipeline_mode = #tpu.pipeline_mode<synchronous>, transform_indices = @transform_4, window_bounds = array<i64: 128, 128>}, {transform_indices = @transform_5, window_bounds = array<i64: 1000, 128>}]} {
    %get3A = arith.constant 0 : index
    %get3A_0 = arith.constant 0 : index
    %get3A_1 = arith.constant 0 : index
    %get3A_2 = vector.load %arg1[%get3A, %get3A_0, %get3A_1] : memref<2x1000x128xf32, #tpu.memory_space<vmem>>, vector<1x1000x128xf32>
    %get3A_3 = vector.shape_cast %get3A_2 : vector<1x1000x128xf32> to vector<1000x128xf32>
    %get3A_4 = arith.constant 1 : index
    %get3A_5 = arith.constant 0 : index
    %get3A_6 = arith.constant 0 : index
    %get3A_7 = vector.load %arg1[%get3A_4, %get3A_5, %get3A_6] : memref<2x1000x128xf32, #tpu.memory_space<vmem>>, vector<1x1000x128xf32>
    %get3A_8 = vector.shape_cast %get3A_7 : vector<1x1000x128xf32> to vector<1000x128xf32>
    %add3A = arith.addf %get3A_3, %get3A_8 : vector<1000x128xf32>
    %get3A_9 = arith.constant 0 : index
    %get3A_10 = arith.constant 0 : index
    %get3A_11 = vector.load %arg2[%get3A_9, %get3A_10] : memref<1000x128xf32, #tpu.memory_space<vmem>>, vector<1000x128xf32>
    %add3A_12 = arith.addf %add3A, %get3A_11 : vector<1000x128xf32>
    %get3A_13 = arith.constant 0 : index
    %get3A_14 = arith.constant 0 : index
    %get3A_15 = vector.load %arg3[%get3A_13, %get3A_14] : memref<1000x1xf32, #tpu.memory_space<vmem>>, vector<1000x1xf32>
    %mul3A = vector.broadcast %get3A_15 : vector<1000x1xf32> to vector<1000x128xf32>
    %mul3A_16 = arith.mulf %mul3A, %add3A_12 : vector<1000x128xf32>
    %get3A_17 = arith.constant 0 : index
    %get3A_18 = arith.constant 0 : index
    %get3A_19 = vector.load %arg4[%get3A_17, %get3A_18] : memref<1x128xf32, #tpu.memory_space<vmem>>, vector<1x128xf32>
    %add3A_20 = vector.broadcast %get3A_19 : vector<1x128xf32> to vector<1000x128xf32>
    %add3A_21 = arith.addf %mul3A_16, %add3A_20 : vector<1000x128xf32>
    %max3A = arith.constant 0.000000e+00 : f32
    %max3A_22 = vector.broadcast %max3A : f32 to vector<1000x128xf32>
    %max3A_23 = arith.maximumf %add3A_21, %max3A_22 : vector<1000x128xf32>
    %get3A_24 = arith.constant 0 : index
    %get3A_25 = arith.constant 0 : index
    %get3A_26 = vector.load %arg5[%get3A_24, %get3A_25] : memref<128x128xf32, #tpu.memory_space<vmem>>, vector<128x128xf32>
    %dot_general3A = arith.constant dense<0.000000e+00> : vector<1000x128xf32>
    %dot_general3A_27 = tpu.matmul %max3A_23, %get3A_26, %dot_general3A {dimension_numbers = #tpu.dot_dimension_numbers<[1], [0], [0], [1], [0, 0, 1, 1], [], []>, transpose_lhs_hint = false} : vector<1000x128xf32>, vector<128x128xf32>, vector<1000x128xf32> -> vector<1000x128xf32>
    %get3A_28 = arith.constant 0 : index
    %get3A_29 = arith.constant 0 : index
    %get3A_30 = vector.load %arg3[%get3A_28, %get3A_29] : memref<1000x1xf32, #tpu.memory_space<vmem>>, vector<1000x1xf32>
    %mul3A_31 = vector.broadcast %get3A_30 : vector<1000x1xf32> to vector<1000x128xf32>
    %mul3A_32 = arith.mulf %mul3A_31, %dot_general3A_27 : vector<1000x128xf32>
    %swap3A = arith.constant 0 : index
    %swap3A_33 = arith.constant 0 : index
    %swap3A_34 = vector.load %arg6[%swap3A, %swap3A_33] : memref<1000x128xf32, #tpu.memory_space<vmem>>, vector<1000x128xf32>
    tpu.vector_store %arg6[%swap3A, %swap3A_33], %mul3A_32 {strides = array<i32>} : memref<1000x128xf32, #tpu.memory_space<vmem>>, vector<1000x128xf32>,
    return
  }
  func.func @transform_0(%arg0: i32) -> (i32, i32, i32) {
    %c0_i32 = arith.constant 0 : i32
    %c0_i32_0 = arith.constant 0 : i32
    %c0_i32_1 = arith.constant 0 : i32
    return %c0_i32, %arg0, %c0_i32_0 : i32, i32, i32
  }
  func.func @transform_1(%arg0: i32) -> (i32, i32) {
    %c0_i32 = arith.constant 0 : i32
    %c0_i32_0 = arith.constant 0 : i32
    return %arg0, %c0_i32 : i32, i32
  }
  func.func @transform_2(%arg0: i32) -> (i32, i32) {
    %c0_i32 = arith.constant 0 : i32
    %c0_i32_0 = arith.constant 0 : i32
    return %arg0, %c0_i32 : i32, i32
  }
  func.func @transform_3(%arg0: i32) -> (i32, i32) {
    %c0_i32 = arith.constant 0 : i32
    %c0_i32_0 = arith.constant 0 : i32
    %c0_i32_1 = arith.constant 0 : i32
    return %c0_i32, %c0_i32_0 : i32, i32
  }
  func.func @transform_4(%arg0: i32) -> (i32, i32) {
    %c0_i32 = arith.constant 0 : i32
    %c0_i32_0 = arith.constant 0 : i32
    %c0_i32_1 = arith.constant 0 : i32
    return %c0_i32, %c0_i32_0 : i32, i32
  }
  func.func @transform_5(%arg0: i32) -> (i32, i32) {
    %c0_i32 = arith.constant 0 : i32
    %c0_i32_0 = arith.constant 0 : i32
    return %arg0, %c0_i32 : i32, i32
  }
}

module attributes {stable_mosaic.version = 14 : i64} {
  func.func @_tc3_body(%arg0: i32, %arg1: memref<2x1000x128xf32, #tpu.memory_space<vmem>>, %arg2: memref<1000x128xf32, #tpu.memory_space<vmem>>, %arg3: memref<1000x1xf32, #tpu.memory_space<vmem>>, %arg4: memref<1x128xf32, #tpu.memory_space<vmem>>, %arg5: memref<1000x1xf32, #tpu.memory_space<vmem>>, %arg6: memref<128x10xf32, #tpu.memory_space<vmem>>, %arg7: memref<1x10xf32, #tpu.memory_space<vmem>>, %arg8: memref<64x10xf32, #tpu.memory_space<vmem>>, %arg9: memref<64x128xf32, #tpu.memory_space<vmem>>, %arg10: memref<64x128xf32, #tpu.memory_space<vmem>>) attributes {dimension_semantics = [#tpu.dimension_semantics<arbitrary>], iteration_bounds = array<i64: 10>, scalar_prefetch = 0 : i64, scratch_operands = 2 : i64, tpu.core_type = #tpu.core_type<tc>, window_params = [{transform_indices = @transform_0, window_bounds = array<i64: 2, 1000, 128>}, {transform_indices = @transform_1, window_bounds = array<i64: 1000, 128>}, {transform_indices = @transform_2, window_bounds = array<i64: 1000, 1>}, {pipeline_mode = #tpu.pipeline_mode<synchronous>, transform_indices = @transform_3, window_bounds = array<i64: 1, 128>}, {transform_indices = @transform_4, window_bounds = array<i64: 1000, 1>}, {pipeline_mode = #tpu.pipeline_mode<synchronous>, transform_indices = @transform_5, window_bounds = array<i64: 128, 10>}, {pipeline_mode = #tpu.pipeline_mode<synchronous>, transform_indices = @transform_6, window_bounds = array<i64: 1, 10>}, {pipeline_mode = #tpu.pipeline_mode<synchronous>, transform_indices = @transform_7, window_bounds = array<i64: 64, 10>}]} {
    %eq3A = arith.constant 0 : i32
    %eq3A_0 = arith.cmpi eq, %arg0, %eq3A : i32
    %convert_element_type3A = arith.extui %eq3A_0 : i1 to i32
    %cond3A = arith.constant 0 : i32
    %cond3A_1 = arith.cmpi ne, %convert_element_type3A, %cond3A : i32
    scf.if %cond3A_1 {
      %broadcast_in_dim3A_55 = arith.constant 0.000000e+00 : f32
      %broadcast_in_dim3A_56 = vector.broadcast %broadcast_in_dim3A_55 : f32 to vector<64x128xf32>
      %swap3A_57 = arith.constant 0 : index
      %swap3A_58 = arith.constant 0 : index
      %swap3A_59 = vector.load %arg9[%swap3A_57, %swap3A_58] : memref<64x128xf32, #tpu.memory_space<vmem>>, vector<64x128xf32>
      tpu.vector_store %arg9[%swap3A_57, %swap3A_58], %broadcast_in_dim3A_56 {strides = array<i32>} : memref<64x128xf32, #tpu.memory_space<vmem>>, vector<64x128xf32>,
      %broadcast_in_dim3A_60 = arith.constant 0.000000e+00 : f32
      %broadcast_in_dim3A_61 = vector.broadcast %broadcast_in_dim3A_60 : f32 to vector<64x128xf32>
      %swap3A_62 = arith.constant 0 : index
      %swap3A_63 = arith.constant 0 : index
      %swap3A_64 = vector.load %arg10[%swap3A_62, %swap3A_63] : memref<64x128xf32, #tpu.memory_space<vmem>>, vector<64x128xf32>
      tpu.vector_store %arg10[%swap3A_62, %swap3A_63], %broadcast_in_dim3A_61 {strides = array<i32>} : memref<64x128xf32, #tpu.memory_space<vmem>>, vector<64x128xf32>,
    } else {
    }
    %get3A = arith.constant 0 : index
    %get3A_2 = arith.constant 0 : index
    %get3A_3 = arith.constant 0 : index
    %get3A_4 = vector.load %arg1[%get3A, %get3A_2, %get3A_3] : memref<2x1000x128xf32, #tpu.memory_space<vmem>>, vector<1x1000x128xf32>
    %get3A_5 = vector.shape_cast %get3A_4 : vector<1x1000x128xf32> to vector<1000x128xf32>
    %get3A_6 = arith.constant 1 : index
    %get3A_7 = arith.constant 0 : index
    %get3A_8 = arith.constant 0 : index
    %get3A_9 = vector.load %arg1[%get3A_6, %get3A_7, %get3A_8] : memref<2x1000x128xf32, #tpu.memory_space<vmem>>, vector<1x1000x128xf32>
    %get3A_10 = vector.shape_cast %get3A_9 : vector<1x1000x128xf32> to vector<1000x128xf32>
    %add3A = arith.addf %get3A_5, %get3A_10 : vector<1000x128xf32>
    %get3A_11 = arith.constant 0 : index
    %get3A_12 = arith.constant 0 : index
    %get3A_13 = vector.load %arg2[%get3A_11, %get3A_12] : memref<1000x128xf32, #tpu.memory_space<vmem>>, vector<1000x128xf32>
    %add3A_14 = arith.addf %add3A, %get3A_13 : vector<1000x128xf32>
    %get3A_15 = arith.constant 0 : index
    %get3A_16 = arith.constant 0 : index
    %get3A_17 = vector.load %arg3[%get3A_15, %get3A_16] : memref<1000x1xf32, #tpu.memory_space<vmem>>, vector<1000x1xf32>
    %mul3A = vector.broadcast %get3A_17 : vector<1000x1xf32> to vector<1000x128xf32>
    %mul3A_18 = arith.mulf %mul3A, %add3A_14 : vector<1000x128xf32>
    %get3A_19 = arith.constant 0 : index
    %get3A_20 = arith.constant 0 : index
    %get3A_21 = vector.load %arg4[%get3A_19, %get3A_20] : memref<1x128xf32, #tpu.memory_space<vmem>>, vector<1x128xf32>
    %add3A_22 = vector.broadcast %get3A_21 : vector<1x128xf32> to vector<1000x128xf32>
    %add3A_23 = arith.addf %mul3A_18, %add3A_22 : vector<1000x128xf32>
    %iota3A = tpu.iota {dimensions = array<i32: 1>} : vector<1x64xi32>
    %convert_element_type3A_24 = arith.sitofp %iota3A : vector<1x64xi32> to vector<1x64xf32>
    %get3A_25 = arith.constant 0 : index
    %get3A_26 = arith.constant 0 : index
    %get3A_27 = vector.load %arg5[%get3A_25, %get3A_26] : memref<1000x1xf32, #tpu.memory_space<vmem>>, vector<1000x1xf32>
    %eq3A_28 = vector.broadcast %get3A_27 : vector<1000x1xf32> to vector<1000x64xf32>
    %eq3A_29 = vector.broadcast %convert_element_type3A_24 : vector<1x64xf32> to vector<1000x64xf32>
    %eq3A_30 = arith.cmpf oeq, %eq3A_28, %eq3A_29 : vector<1000x64xf32>
    %convert_element_type3A_31 = arith.extui %eq3A_30 : vector<1000x64xi1> to vector<1000x64xi32>
    %convert_element_type3A_32 = arith.sitofp %convert_element_type3A_31 : vector<1000x64xi32> to vector<1000x64xf32>
    %get3A_33 = arith.constant 0 : index
    %get3A_34 = arith.constant 0 : index
    %get3A_35 = vector.load %arg9[%get3A_33, %get3A_34] : memref<64x128xf32, #tpu.memory_space<vmem>>, vector<64x128xf32>
    %dot_general3A = arith.constant dense<0.000000e+00> : vector<64x128xf32>
    %dot_general3A_36 = tpu.matmul %convert_element_type3A_32, %add3A_23, %dot_general3A {dimension_numbers = #tpu.dot_dimension_numbers<[0], [0], [1], [1], [0, 1, 1, 1], [], []>, transpose_lhs_hint = false} : vector<1000x64xf32>, vector<1000x128xf32>, vector<64x128xf32> -> vector<64x128xf32>
    %add3A_37 = arith.addf %get3A_35, %dot_general3A_36 : vector<64x128xf32>
    %swap3A = arith.constant 0 : index
    %swap3A_38 = arith.constant 0 : index
    %swap3A_39 = vector.load %arg9[%swap3A, %swap3A_38] : memref<64x128xf32, #tpu.memory_space<vmem>>, vector<64x128xf32>
    tpu.vector_store %arg9[%swap3A, %swap3A_38], %add3A_37 {strides = array<i32>} : memref<64x128xf32, #tpu.memory_space<vmem>>, vector<64x128xf32>,
    %get3A_40 = arith.constant 0 : index
    %get3A_41 = arith.constant 0 : index
    %get3A_42 = vector.load %arg10[%get3A_40, %get3A_41] : memref<64x128xf32, #tpu.memory_space<vmem>>, vector<64x128xf32>
    %broadcast_in_dim3A = arith.constant 1.000000e+00 : f32
    %broadcast_in_dim3A_43 = vector.broadcast %broadcast_in_dim3A : f32 to vector<1000x128xf32>
    %dot_general3A_44 = arith.constant dense<0.000000e+00> : vector<64x128xf32>
    %dot_general3A_45 = tpu.matmul %convert_element_type3A_32, %broadcast_in_dim3A_43, %dot_general3A_44 {dimension_numbers = #tpu.dot_dimension_numbers<[0], [0], [1], [1], [0, 1, 1, 1], [], []>, transpose_lhs_hint = false} : vector<1000x64xf32>, vector<1000x128xf32>, vector<64x128xf32> -> vector<64x128xf32>
    %add3A_46 = arith.addf %get3A_42, %dot_general3A_45 : vector<64x128xf32>
    %swap3A_47 = arith.constant 0 : index
    %swap3A_48 = arith.constant 0 : index
    %swap3A_49 = vector.load %arg10[%swap3A_47, %swap3A_48] : memref<64x128xf32, #tpu.memory_space<vmem>>, vector<64x128xf32>
    tpu.vector_store %arg10[%swap3A_47, %swap3A_48], %add3A_46 {strides = array<i32>} : memref<64x128xf32, #tpu.memory_space<vmem>>, vector<64x128xf32>,
    %eq3A_50 = arith.constant 9 : i32
    %eq3A_51 = arith.cmpi eq, %arg0, %eq3A_50 : i32
    %convert_element_type3A_52 = arith.extui %eq3A_51 : i1 to i32
    %cond3A_53 = arith.constant 0 : i32
    %cond3A_54 = arith.cmpi ne, %convert_element_type3A_52, %cond3A_53 : i32
    scf.if %cond3A_54 {
      %get3A_55 = arith.constant 0 : index
      %get3A_56 = arith.constant 0 : index
      %get3A_57 = vector.load %arg9[%get3A_55, %get3A_56] : memref<64x128xf32, #tpu.memory_space<vmem>>, vector<64x128xf32>
      %get3A_58 = arith.constant 0 : index
      %get3A_59 = arith.constant 0 : index
      %get3A_60 = vector.load %arg10[%get3A_58, %get3A_59] : memref<64x128xf32, #tpu.memory_space<vmem>>, vector<64x128xf32>
      %max3A = arith.constant 1.000000e+00 : f32
      %max3A_61 = vector.broadcast %max3A : f32 to vector<64x128xf32>
      %max3A_62 = arith.maximumf %get3A_60, %max3A_61 : vector<64x128xf32>
      %div3A = arith.divf %get3A_57, %max3A_62 : vector<64x128xf32>
      %get3A_63 = arith.constant 0 : index
      %get3A_64 = arith.constant 0 : index
      %get3A_65 = vector.load %arg6[%get3A_63, %get3A_64] : memref<128x10xf32, #tpu.memory_space<vmem>>, vector<128x10xf32>
      %dot_general3A_66 = arith.constant dense<0.000000e+00> : vector<64x10xf32>
      %dot_general3A_67 = tpu.matmul %div3A, %get3A_65, %dot_general3A_66 {dimension_numbers = #tpu.dot_dimension_numbers<[1], [0], [0], [1], [0, 0, 1, 1], [], []>, transpose_lhs_hint = false} : vector<64x128xf32>, vector<128x10xf32>, vector<64x10xf32> -> vector<64x10xf32>
      %get3A_68 = arith.constant 0 : index
      %get3A_69 = arith.constant 0 : index
      %get3A_70 = vector.load %arg7[%get3A_68, %get3A_69] : memref<1x10xf32, #tpu.memory_space<vmem>>, vector<1x10xf32>
      %add3A_71 = vector.broadcast %get3A_70 : vector<1x10xf32> to vector<64x10xf32>
      %add3A_72 = arith.addf %dot_general3A_67, %add3A_71 : vector<64x10xf32>
      %swap3A_73 = arith.constant 0 : index
      %swap3A_74 = arith.constant 0 : index
      %swap3A_75 = vector.load %arg8[%swap3A_73, %swap3A_74] : memref<64x10xf32, #tpu.memory_space<vmem>>, vector<64x10xf32>
      tpu.vector_store %arg8[%swap3A_73, %swap3A_74], %add3A_72 {strides = array<i32>} : memref<64x10xf32, #tpu.memory_space<vmem>>, vector<64x10xf32>,
    } else {
    }
    return
  }
  func.func @transform_0(%arg0: i32) -> (i32, i32, i32) {
    %c0_i32 = arith.constant 0 : i32
    %c0_i32_0 = arith.constant 0 : i32
    %c0_i32_1 = arith.constant 0 : i32
    return %c0_i32, %arg0, %c0_i32_0 : i32, i32, i32
  }
  func.func @transform_1(%arg0: i32) -> (i32, i32) {
    %c0_i32 = arith.constant 0 : i32
    %c0_i32_0 = arith.constant 0 : i32
    return %arg0, %c0_i32 : i32, i32
  }
  func.func @transform_2(%arg0: i32) -> (i32, i32) {
    %c0_i32 = arith.constant 0 : i32
    %c0_i32_0 = arith.constant 0 : i32
    return %arg0, %c0_i32 : i32, i32
  }
  func.func @transform_3(%arg0: i32) -> (i32, i32) {
    %c0_i32 = arith.constant 0 : i32
    %c0_i32_0 = arith.constant 0 : i32
    %c0_i32_1 = arith.constant 0 : i32
    return %c0_i32, %c0_i32_0 : i32, i32
  }
  func.func @transform_4(%arg0: i32) -> (i32, i32) {
    %c0_i32 = arith.constant 0 : i32
    %c0_i32_0 = arith.constant 0 : i32
    return %arg0, %c0_i32 : i32, i32
  }
  func.func @transform_5(%arg0: i32) -> (i32, i32) {
    %c0_i32 = arith.constant 0 : i32
    %c0_i32_0 = arith.constant 0 : i32
    %c0_i32_1 = arith.constant 0 : i32
    return %c0_i32, %c0_i32_0 : i32, i32
  }
  func.func @transform_6(%arg0: i32) -> (i32, i32) {
    %c0_i32 = arith.constant 0 : i32
    %c0_i32_0 = arith.constant 0 : i32
    %c0_i32_1 = arith.constant 0 : i32
    return %c0_i32, %c0_i32_0 : i32, i32
  }
  func.func @transform_7(%arg0: i32) -> (i32, i32) {
    %c0_i32 = arith.constant 0 : i32
    %c0_i32_0 = arith.constant 0 : i32
    %c0_i32_1 = arith.constant 0 : i32
    return %c0_i32, %c0_i32_0 : i32, i32
  }
}

</mosaic_0001>

<sc_bundles>
// kernel: kernel.10.cloned.1.call-start
scs
__scs_entry_jumppad:
0x0: {  	(pc) =	sbr.rel $0x88, $3  }
0x1: {  	(tag) =	ssettag $0x0;
	lr =	simm.s32 $0x1  }
0x2: {  	[smem:$0x3F96] =	sst lr;
	_ =	strace $0xD0000000  }
0x3: {  	_ = 	snop  }
0x4: {  	_ = 	snop  }
0x5: {  	_ = 	snop  }
0x6: {  	_ = 	snop  }
0x7: {  	_ = 	snop  }
__scs_overlays_trampoline_lowered:
0x8: {  	[smem:$0x3FA5] =	sst s0  }
0x9: {  	[smem:$0x3FA6] =	sst s1  }
0xa: {  	[smem:$0x3FA7] =	sst s2  }
0xb: {  	[smem:$0x3FA8] =	sst s3  }
0xc: {  	[smem:$0x3FA9] =	sst s4  }
0xd: {  	[smem:$0x3FAA] =	sst s5  }
0xe: {  	[smem:$0x3FAB] =	sst s6  }
0xf: {  	[smem:$0x3FAC] =	sst s7  }
0x10: {  	[smem:$0x3FAD] =	sst s8  }
0x11: {  	[smem:$0x3FAE] =	sst s9;
	s0 =	simm.s32 @!p0 $0x0  }
0x12: {  	s1 =	sld [smem:$0x3F94];
	s0 =	simm.s32 @p0 $0x1  }
0x13: {  	[smem:$0x3FAF] =	sst s0;
	s0 =	simm.s32 @!p1 $0x0  }
0x14: {  	s2 =	sld [smem:$0x3F93];
	s0 =	simm.s32 @p1 $0x1  }
0x15: {  	[smem:$0x3FB0] =	sst s0;
	s0 =	simm.s32 @!p2 $0x0  }
0x16: {  	s3 =	sld [smem:$0x3FDB];
	s0 =	simm.s32 @p2 $0x1  }
0x17: {  	s4 =	simm.s32 $0x1BF5;
	[smem:$0x3FB2] =	sst s0  }
0x18: {  	s0 =	sld [smem:$0x3F95];
	_ =	swait.ge [sflag:s4], $0x0  }
0x19: {  	s7 =	sld [smem:$0x3F96]  }
0x1a: {  	s8 =	sadd.s32 $0xFFFFE003, lr  }
0x1b: {  	s9 =	sadd.s32 $0xFFFFFEF7, lr;
	s5 =	simm.s32 $0xFFFFFFFF;
	p2 =	slt.u32 s8, $0xFFFFF086  }
0x1c: {  	p1 =	slt.u32 s9, $0xF7A;
	s5 =	simm.s32 @!p2 $0x0  }
0x1d: {  	s5 =	simm.s32 @p1 $0x1;
	p0 =	seq.s32 s7, s2  }
0x1e: {  	s7 =	smul.u32 @!p0 $0xF7A, s2;
	p2 =	seq.s32 @!p0 s5, $0x0  }
0x1f: {  	s9 =	smul.u32 $0xF7A, s1;
	s8 =	simm.s32 @!p0 $0x1BF5;
	p2 =	por !p2, p0  }
0x20: {  	[sflag:s8] =	ssyncset.s32 @!p0 $0xFFFFF086;
	s6 =	sadd.s32 @!p0 s3, s7;
	s7 =	simm.s32 @!p0 $0x108  }
0x21: {  	s3 =	sadd.s32 s3, s9;
	s6 =	sadd.s32 @!p0 $0x88, s6;
	s7 =	simm.s32 @p2 $0x1082  }
0x22: {  	[simem:s7], [sflag:s8] =	dma.local @!p0 [hbm:s6], $0xF7A  }
0x23: {  	s9 =	sor.u32 $0xD0000000, s2;
	s6 =	simm.s32 $0x108;
	_ =	swait.ge @!p0 [sflag:s8], $0x0  }
0x24: {  	s3 =	sadd.s32 $0x88, s3;
	s6 =	simm.s32 @!p1 $0x1082;
	[sflag:s4] =	ssyncset.s32 $0xFFFFF086  }
0x25: {  	[simem:s6], [sflag:s4] =	dma.local [hbm:s3], $0xF7A  }
0x26: {  	[smem:$0x3F96] =	sst s1;
	(tag) =	ssettag s2;
	_ =	strace s9  }
0x27: {  	s1 =	sld [smem:$0x3FA6]  }
0x28: {  	s2 =	sld [smem:$0x3FA7]  }
0x29: {  	s4 =	sld [smem:$0x3FA9]  }
0x2a: {  	p0 =	seq.s32 s5, $0x0;
	s5 =	sld [smem:$0x3FAA]  }
0x2b: {  	s6 =	sld [smem:$0x3FAB]  }
0x2c: {  	s7 =	sld [smem:$0x3FAC]  }
0x2d: {  	s3 =	simm.s32 $0x108;
	s8 =	sld [smem:$0x3FAD]  }
0x2e: {  	s3 =	simm.s32 @!p0 $0x1082;
	s9 =	sld [smem:$0x3FAE]  }
0x2f: {  	lr =	sadd.s32 s0, s3;
	s0 =	sld [smem:$0x3FA5]  }
0x30: {  	s3 =	sld [smem:$0x3FA8]  }
0x31: {  	[smem:$0x3FB1] =	sst s10  }
0x32: {  	s10 =	sld [smem:$0x3FAF];
	_ =	sdelay $0x3  }
0x33: {  	p0 =	seq.s32 s10, $0x1;
	s10 =	sld [smem:$0x3FB1];
	_ =	sdelay $0x3  }
0x34: {  	[smem:$0x3FB1] =	sst s10  }
0x35: {  	s10 =	sld [smem:$0x3FB0];
	_ =	sdelay $0x3  }
0x36: {  	p1 =	seq.s32 s10, $0x1;
	s10 =	sld [smem:$0x3FB1];
	_ =	sdelay $0x3  }
0x37: {  	[smem:$0x3FB1] =	sst s10  }
0x38: {  	s10 =	sld [smem:$0x3FB2]  }
0x39: {  	_ = 	snop;
	(pc) =	sbr.ind lr, $3  }
0x3a: {  	_ = 	snop  }
0x3b: {  	_ = 	snop  }
0x3c: {  	p2 =	seq.s32 s10, $0x1;
	s10 =	sld [smem:$0x3FB1]  }
0x3d: {  	_ =	shalt  }
0x3e: {  	_ =	shalt  }
0x3f: {  	_ =	shalt  }
0x40: {  	_ =	shalt  }
0x41: {  	_ =	shalt  }
0x42: {  	_ =	shalt  }
0x43: {  	_ =	shalt  }
0x44: {  	_ =	shalt  }
0x45: {  	_ =	shalt  }
0x46: {  	_ =	shalt  }
0x47: {  	_ =	shalt  }
0x48: {  	_ =	shalt  }
0x49: {  	_ =	shalt  }
0x4a: {  	_ =	shalt  }
0x4b: {  	_ =	shalt  }
0x4c: {  	_ =	shalt  }
0x4d: {  	_ =	shalt  }
0x4e: {  	_ =	shalt  }
0x4f: {  	_ =	shalt  }
0x50: {  	_ =	shalt  }
0x51: {  	_ =	shalt  }
0x52: {  	_ =	shalt  }
0x53: {  	_ =	shalt  }
0x54: {  	_ =	shalt  }
0x55: {  	_ =	shalt  }
0x56: {  	_ =	shalt  }
0x57: {  	_ =	shalt  }
0x58: {  	_ =	shalt  }
0x59: {  	_ =	shalt  }
0x5a: {  	_ =	shalt  }
0x5b: {  	_ =	shalt  }
0x5c: {  	_ =	shalt  }
0x5d: {  	_ =	shalt  }
0x5e: {  	_ =	shalt  }
0x5f: {  	_ =	shalt  }
0x60: {  	_ =	shalt  }
0x61: {  	_ =	shalt  }
0x62: {  	_ =	shalt  }
0x63: {  	_ =	shalt  }
0x64: {  	_ =	shalt  }
0x65: {  	_ =	shalt  }
0x66: {  	_ =	shalt  }
0x67: {  	_ =	shalt  }
0x68: {  	_ =	shalt  }
0x69: {  	_ =	shalt  }
0x6a: {  	_ =	shalt  }
0x6b: {  	_ =	shalt  }
0x6c: {  	_ =	shalt  }
0x6d: {  	_ =	shalt  }
0x6e: {  	_ =	shalt  }
0x6f: {  	_ =	shalt  }
0x70: {  	_ =	shalt  }
0x71: {  	_ =	shalt  }
0x72: {  	_ =	shalt  }
0x73: {  	_ =	shalt  }
0x74: {  	_ =	shalt  }
0x75: {  	_ =	shalt  }
0x76: {  	_ =	shalt  }
0x77: {  	_ =	shalt  }
0x78: {  	_ =	shalt  }
0x79: {  	_ =	shalt  }
0x7a: {  	_ =	shalt  }
0x7b: {  	_ =	shalt  }
0x7c: {  	_ =	shalt  }
0x7d: {  	_ =	shalt  }
0x7e: {  	_ =	shalt  }
0x7f: {  	_ =	shalt  }
0x80: {  	_ =	shalt  }
0x81: {  	_ =	shalt  }
0x82: {  	_ =	shalt  }
0x83: {  	_ =	shalt  }
0x84: {  	_ =	shalt  }
0x85: {  	_ =	shalt  }
0x86: {  	_ =	shalt  }
0x87: {  	_ =	shalt  }
.Lfunc_end0:
.L_simem_size_0:
called_computation_lowered:
.L_overlay_start_0:
0x88: {  	s2 =	sld [smem:$0x3FD9]  }
0x89: {  	s3 =	sld [smem:$0x3FFE];
	_ =	sdelay $0x1  }
0x8a: {  	s1 =	srdreg.scid  }
0x8b: {  	s0 =	sand.u32 $0x1, s1  }
0x8c: {  	s16 =	sshll.u32 s0, $0xA;
	s2 =	sadd.s32 s3, s2  }
0x8d: {  	s2 =	sadd.s32 s2, s16  }
0x8e: {  	[smem:$0x3FBD] =	sst s2  }
0x8f: {  	_ = 	snop  }
0x90: {  	(tm) =	ssettm $0x1  }
0x91: {  	s17 =	sld [smem:$0x3FFB];
	_ =	sdelay $0x3  }
0x92: {  	_ =	strace s17  }
0x93: {  	s2 =	sld [smem:$0x3FFC];
	_ =	sdelay $0x3  }
0x94: {  	_ =	strace s2  }
0x95: {  	s2 =	sld [smem:$0x3FFD];
	_ =	sdelay $0x3  }
0x96: {  	_ =	strace s2  }
0x97: {  	_ =	strace $0x8FFFFFFF  }
0x98: {  	s18 =	sld [smem:$0x3FDB];
	_ =	sdelay $0x1  }
0x99: {  	s19 =	simm.s32 $_scs_section_size  }
0x9a: {  	s4 =	simm.s32 $_size__tile_overlayer_lowered;
	s5 =	simm.s32 $_tile_overlayer_lowered  }
0x9b: {  	s22 =	simm.s32 $0x1BFF;
	s21 =	sshll.u32 s5, $0x1;
	s2 =	sadd.s32 s19, s18  }
0x9c: {  	s6 =	simm.s32 $0x0;
	s20 =	sshll.u32 s4, $0x1;
	s4 =	sadd.s32 s21, s2  }
0x9d: {  	[timem:s6], [sflag:s22] =	dma.local [hbm:s4], s20  }
0x9e: {  	_ =	swait.ge [sflag:s22], s20  }
0x9f: {  	s3 =	ssub.s32 $0x0, s20;
	[sflag:s22] =	ssyncset.done $0x0  }
0xa0: {  	[sflag:s22] =	ssyncadd.s32 s3;
	_ =	sdelay $0x1  }
0xa1: {  	s23 =	simm.s32 $0x1B8B  }
0xa2: {  	_ =	swait.ge [sflag:s23], $0x1  }
0xa3: {  	[sflag:s23] =	ssyncset.done $0x0  }
0xa4: {  	s25 =	simm.s32 $0x1B8E;
	s24 =	sld [smem:$0x3FFE];
	[sflag:s23] =	ssyncadd.s32 $0xFFFFFFFF  }
0xa5: {  	s26 =	simm.s32 $execute0_lowered;
	[smem:$0x3FD2] =	sst s25  }
0xa6: {  	s4 =	sshll.u32 s26, $0x1;
	_ =	strace $0x80000046;
	[dreg:$0x1] =	wrdreg $0xFFFFFFFF  }
0xa7: {  	s28 =	simm.s32 $_size_execute0_lowered;
	s2 =	sadd.s32 s2, s4;
	[dreg:$0x0] =	wrdreg $0x0  }
0xa8: {  	s4 =	sshll.u32 s28, $0x1;
	[dreg:$0x2] =	wrdreg s2  }
0xa9: {  	[dreg:$0x3] =	wrdreg s4  }
0xaa: {  	[dreg:$0x4] =	wrdreg $0xC0  }
0xab: {  	_ =	task [dreg:s6], $0x5FFFF  }
0xac: {  	[dreg:$0x1] =	wrdreg $0xFFFFFFFF  }
0xad: {  	[dreg:$0x0] =	wrdreg $0x60  }
0xae: {  	[dreg:$0x2] =	wrdreg s24  }
0xaf: {  	[dreg:$0x3] =	wrdreg $0x1000  }
0xb0: {  	[dreg:$0x4] =	wrdreg $0x9  }
0xb1: {  	_ =	task.clear_ibuf [dreg:s6], $0x5FFFF;
	_ =	strace $0x90000046  }
0xb2: {  	s29 =	simm.s32 $0x9;
	_ =	strace $0x80000048  }
0xb3: {  	_ =	swait.ge [sflag:s29], $0x1  }
0xb4: {  	[sflag:s29] =	ssyncadd.s32 $0xFFFFFFFF  }
0xb5: {  	_ =	strace $0x90000048  }
0xb6: {  	_ =	sfence  }
0xb7: {  	s30 =	sld [smem:$0x0];
	_ =	sdelay $0x2  }
0xb8: {  	s31 =	sshll.u32 s1, $0xD;
	s1 =	sshrl.u32 s1, $0x2  }
0xb9: {  	s3 =	sand.u32 $0x4000, s31;
	s1 =	sadd.s32 s1, s30  }
0xba: {  	s0 =	sor.u32 s3, s0;
	s1 =	sshll.u32 s1, $0x11  }
0xbb: {  	s0 =	sor.u32 s1, s0  }
0xbc: {  	s0 =	sadd.s32 $0x8F2B, s0  }
0xbd: {  	[sflag:s0] =	ssyncadd.remote.s32 $0x1  }
0xbe: {  	_ =	sfence.sel $0xFFFF  }
0xbf: {  	[dreg:$0x0] =	wrdreg $0xFFFFFFFF;
	(pc) =	sbr.abs _section_cstart, $3  }
0xc0: {  	[dreg:$0x1] =	wrdreg $0xFFFFFFFF  }
0xc1: {  	_ =	task.clear_ibuf [dreg:s6], $0x2FFFF;
	_ =	strace $0x9FFFFFFF  }
0xc2: {  	(tm) =	ssettm $0x7FFFFFFF  }
0xc3: {  	_ =	shalt  }
tec
execute0_lowered:
.L_overlay_start_1:
0x0: {  	(tag) =	ssettag $0x1  }
0x1: {  	s5 =	rddreg [dreg:$0x0]  }
0x2: {  	s2 =	rddreg [dreg:$0x1]  }
0x3: {  	s0 =	rddreg [dreg:$0x2];
	s3 =	simm.s32 $0x0;
	s1 =	stileid.u32  }
0x4: {  	s6 =	srdreg.scid;
	s11 =	simm.s32 $0x50;
	s12 =	simm.s32 $0x80  }
0x5: {  	s13 =	simm.s32 $0x0;
	[smem:$0x7FF] =	sst s3;
	s10 =	sand.u32 $0x1, s6  }
0x6: {  	s4 =	smul.u32 $0x9C4, s1;
	_ =	strace $0x80000047;
	s6 =	ssub.s32 $0x2, s10  }
.Ltmp0:
0x7: {  	s8 =	sor.u32 s1, s10;
	p1 =	sne.s32 s10, $0x0;
	(pc) =	sbr.rel .LBB2_1-.Ltmp0, $4  }
0x8: {  	s10 =	simm.s32 $0x1;
	s7 =	sadd.s32 s4, s5;
	s4 =	sadd.s32 $0x16C00, s5  }
0x9: {  	s9 =	sshrl.u32 s6, $0x1;
	p0 =	sne.s32 s8, $0x0;
	s5 =	sadd.s32 $0x17200, s5  }
0xa: {  	s6 =	ssub.s32 s6, s9;
	s8 =	sshll.u32 @!p0 s1, $0x6;
	s7 =	sadd.s32 $0xCE00, s7  }
0xb: {  	v0 =	vimm.f32 $1.000000000e+00;
	s9 =	sshrl.u32 @!p0 s2, $0x3;
	s6 =	smax.u32 s6, $0x1;
	s8 =	sor.u32 @!p0 $0x1C01, s8  }
.LBB2_4:
0xc: {  	s15 =	sadd.s32 s15, s7;
	[sflag:s10] =	ssyncadd.s32 $0xFFFFFFB0  }
0xd: {  	[tilespmem:s3], [sflag:$0x1] =	stream.linear.gather [hbm4b:s15+s3], $0x50, $0x38;
	[tilespmem:$0x378] =	vst v63  }
0xe: {  	_ =	swait.ge [sflag:s10], $0x50  }
0xf: {  	[sflag:s10] =	ssyncset.done $0x0  }
0x10: {  	[sflag:s10] =	ssyncadd.s32 $0xFFFFFFB0  }
0x11: {  	[spmem:s2] =	stream.indirect.scatter.add.f32 [tilespmem:s12], [sflag:$0x1], $0x1, s3, s11, $0xb8;
	[tilespmem:$0x378] =	vst v63  }
0x12: {  	_ =	swait.ge [sflag:s10], $0x50  }
0x13: {  	[sflag:s10] =	ssyncset.done $0x0  }
0x14: {  	[sflag:s10] =	ssyncadd.s32 $0xFFFFFFB0  }
.LBB2_5:
0x15: {  	s13 =	sadd.s32 $0x1, s13  }
0x16: {  	p2 =	sne.s32 s13, s6  }
.Ltmp1:
0x17: {  	[bflag:$0x0] =	sbarrier.arrive $0xFFFF;
	(pc) =	sbr.rel @!p2 .LBB2_6-.Ltmp1, $4  }
0x18: {  	[hbm:s5], [sflag:s8] =	dma.local @!p0 [spmem:s9], $0x4F0  }
0x19: {  	_ =	swait.ge @!p0 [sflag:s14], $0x4F0  }
0x1a: {  	[sflag:s14] =	ssyncset.done @!p0 $0x0  }
0x1b: {  	[sflag:s14] =	ssyncadd.s32 @!p0 $0xFFFFFB10  }
.LBB2_1:
0x1c: {  	[tilespmem:$0x80] =	vst v0  }
0x1d: {  	[tilespmem:$0x90] =	vst v0  }
0x1e: {  	[tilespmem:$0xA0] =	vst v0  }
0x1f: {  	[tilespmem:$0xB0] =	vst v0  }
0x20: {  	[tilespmem:$0xC0] =	vst v0;
	s14 =	simm.s32 @!p0 $0x1  }
0x21: {  	[spmem:s9], [sflag:s8] =	dma.local @!p0 [hbm:s4], $0x4F0  }
.Ltmp2:
0x22: {  	_ =	swait.ge @!p0 [sflag:s14], $0x4F0;
	(pc) =	sbr.rel @p1 .LBB2_5-.Ltmp2, $3  }
0x23: {  	[sflag:s14] =	ssyncset.done @!p0 $0x0  }
0x24: {  	[sflag:s14] =	ssyncadd.s32 @!p0 $0xFFFFFB10  }
0x25: {  	[bflag:$0x0] =	sbarrier.arrive $0xFFFF;
	_ =	sdelay $0x1  }
0x26: {  	s15 =	sadd.s32 $0x0, s7  }
0x27: {  	[tilespmem:s3], [sflag:$0x1] =	stream.linear.gather [hbm4b:s15+s3], $0x50, $0x38;
	[tilespmem:$0x378] =	vst v63  }
0x28: {  	_ =	swait.ge [sflag:s10], $0x50  }
0x29: {  	[sflag:s10] =	ssyncset.done $0x0  }
0x2a: {  	[sflag:s10] =	ssyncadd.s32 $0xFFFFFFB0  }
0x2b: {  	[spmem:s2] =	stream.indirect.scatter.add.f32 [tilespmem:s12], [sflag:$0x1], $0x1, s3, s11, $0xb8;
	[tilespmem:$0x378] =	vst v63  }
0x2c: {  	_ =	swait.ge [sflag:s10], $0x50  }
0x2d: {  	s16 =	simm.s32 $0x14;
	s15 =	simm.s32 $0xA;
	[sflag:s10] =	ssyncset.done $0x0  }
.LBB2_3:
0x2e: {  	s17 =	sadd.s32 s15, s7  }
0x2f: {  	[sflag:s10] =	ssyncadd.s32 $0xFFFFFFB0;
	s15 =	smov.u32 s16;
	s18 =	sadd.s32 $0xA, s16  }
0x30: {  	[tilespmem:s3], [sflag:$0x1] =	stream.linear.gather [hbm4b:s17+s3], $0x50, $0x38;
	[tilespmem:$0x378] =	vst v63  }
0x31: {  	p2 =	sne.s32 s16, $0x9BA;
	_ =	swait.ge [sflag:s10], $0x50  }
.Ltmp3:
0x32: {  	[sflag:s10] =	ssyncset.done $0x0;
	(pc) =	sbr.rel @p2 .LBB2_3-.Ltmp3, $4  }
0x33: {  	[sflag:s10] =	ssyncadd.s32 $0xFFFFFFB0  }
0x34: {  	[spmem:s2] =	stream.indirect.scatter.add.f32 [tilespmem:s12], [sflag:$0x1], $0x1, s3, s11, $0xb8;
	[tilespmem:$0x378] =	vst v63  }
0x35: {  	_ =	swait.ge [sflag:s10], $0x50  }
0x36: {  	s16 =	smov.u32 s18;
	[sflag:s10] =	ssyncset.done $0x0  }
.Ltmp4:
0x37: {  	_ = 	snop;
	(pc) =	sbr.rel .LBB2_4-.Ltmp4, $1  }
0x38: {  	_ =	sdelay $0x3  }
.LBB2_6:
0x39: {  	_ =	sfence.sel $0x180000  }
0x3a: {  	[bflag:$0x0] =	sbarrier.arrive $0xFFFF  }
0x3b: {  	p0 =	sne.s32 s1, $0x0;
	_ =	strace $0x90000047  }
0x3c: {  	s0 =	sadd.s32 @!p0 $0x100000, s0;
	[bflag:$0x2] =	sbarrier.arrive $0xFFFF  }
0x3d: {  	[sflag:s0] =	ssyncadd.tile.s32 @!p0 $0x1;
	_ =	shalt  }
.Lfunc_end2:
_tile_overlayer_lowered:
.L_overlay_start_2:
0x3e: {  	(tag) =	ssettag $0x2  }
0x3f: {  	s0 =	rddreg [dreg:$0x0];
	s2 =	stileid.u32  }
0x40: {  	s1 =	rddreg [dreg:$0x1];
	p0 =	sne.s32 s2, $0x0  }
0x41: {  	s3 =	rddreg [dreg:$0x2];
	[bflag:$0x3] =	sbarrier.arrive $0xFFFF;
	s2 =	simm.s32 @!p0 $0x1C01  }
0x42: {  	[timem:s3], [sflag:s2] =	dma.local @!p0 [hbm:s0], s1  }
0x43: {  	s0 =	simm.s32 @!p0 $0x1  }
0x44: {  	_ =	swait.ge @!p0 [sflag:s0], s1  }
0x45: {  	s1 =	ssub.s32 @!p0 $0x0, s1;
	[sflag:s0] =	ssyncset.done @!p0 $0x0  }
0x46: {  	[sflag:s0] =	ssyncadd.s32 @!p0 s1  }
0x47: {  	[bflag:$0x3] =	sbarrier.arrive $0xFFFF  }
0x48: {  	_ =	shalt  }

// kernel: kernel.13.cloned.1.call-start
scs
__scs_entry_jumppad:
0x0: {  	(pc) =	sbr.rel $0x88, $3  }
0x1: {  	(tag) =	ssettag $0x0;
	lr =	simm.s32 $0x1  }
0x2: {  	[smem:$0x3F96] =	sst lr;
	_ =	strace $0xD0000000  }
0x3: {  	_ = 	snop  }
0x4: {  	_ = 	snop  }
0x5: {  	_ = 	snop  }
0x6: {  	_ = 	snop  }
0x7: {  	_ = 	snop  }
__scs_overlays_trampoline_lowered:
0x8: {  	[smem:$0x3FA5] =	sst s0  }
0x9: {  	[smem:$0x3FA6] =	sst s1  }
0xa: {  	[smem:$0x3FA7] =	sst s2  }
0xb: {  	[smem:$0x3FA8] =	sst s3  }
0xc: {  	[smem:$0x3FA9] =	sst s4  }
0xd: {  	[smem:$0x3FAA] =	sst s5  }
0xe: {  	[smem:$0x3FAB] =	sst s6  }
0xf: {  	[smem:$0x3FAC] =	sst s7  }
0x10: {  	[smem:$0x3FAD] =	sst s8  }
0x11: {  	[smem:$0x3FAE] =	sst s9;
	s0 =	simm.s32 @!p0 $0x0  }
0x12: {  	s1 =	sld [smem:$0x3F94];
	s0 =	simm.s32 @p0 $0x1  }
0x13: {  	[smem:$0x3FAF] =	sst s0;
	s0 =	simm.s32 @!p1 $0x0  }
0x14: {  	s2 =	sld [smem:$0x3F93];
	s0 =	simm.s32 @p1 $0x1  }
0x15: {  	[smem:$0x3FB0] =	sst s0;
	s0 =	simm.s32 @!p2 $0x0  }
0x16: {  	s3 =	sld [smem:$0x3FDB];
	s0 =	simm.s32 @p2 $0x1  }
0x17: {  	s4 =	simm.s32 $0x1BF5;
	[smem:$0x3FB2] =	sst s0  }
0x18: {  	s0 =	sld [smem:$0x3F95];
	_ =	swait.ge [sflag:s4], $0x0  }
0x19: {  	s7 =	sld [smem:$0x3F96]  }
0x1a: {  	s8 =	sadd.s32 $0xFFFFE003, lr  }
0x1b: {  	s9 =	sadd.s32 $0xFFFFFEF7, lr;
	s5 =	simm.s32 $0xFFFFFFFF;
	p2 =	slt.u32 s8, $0xFFFFF086  }
0x1c: {  	p1 =	slt.u32 s9, $0xF7A;
	s5 =	simm.s32 @!p2 $0x0  }
0x1d: {  	s5 =	simm.s32 @p1 $0x1;
	p0 =	seq.s32 s7, s2  }
0x1e: {  	s7 =	smul.u32 @!p0 $0xF7A, s2;
	p2 =	seq.s32 @!p0 s5, $0x0  }
0x1f: {  	s9 =	smul.u32 $0xF7A, s1;
	s8 =	simm.s32 @!p0 $0x1BF5;
	p2 =	por !p2, p0  }
0x20: {  	[sflag:s8] =	ssyncset.s32 @!p0 $0xFFFFF086;
	s6 =	sadd.s32 @!p0 s3, s7;
	s7 =	simm.s32 @!p0 $0x108  }
0x21: {  	s3 =	sadd.s32 s3, s9;
	s6 =	sadd.s32 @!p0 $0x88, s6;
	s7 =	simm.s32 @p2 $0x1082  }
0x22: {  	[simem:s7], [sflag:s8] =	dma.local @!p0 [hbm:s6], $0xF7A  }
0x23: {  	s9 =	sor.u32 $0xD0000000, s2;
	s6 =	simm.s32 $0x108;
	_ =	swait.ge @!p0 [sflag:s8], $0x0  }
0x24: {  	s3 =	sadd.s32 $0x88, s3;
	s6 =	simm.s32 @!p1 $0x1082;
	[sflag:s4] =	ssyncset.s32 $0xFFFFF086  }
0x25: {  	[simem:s6], [sflag:s4] =	dma.local [hbm:s3], $0xF7A  }
0x26: {  	[smem:$0x3F96] =	sst s1;
	(tag) =	ssettag s2;
	_ =	strace s9  }
0x27: {  	s1 =	sld [smem:$0x3FA6]  }
0x28: {  	s2 =	sld [smem:$0x3FA7]  }
0x29: {  	s4 =	sld [smem:$0x3FA9]  }
0x2a: {  	p0 =	seq.s32 s5, $0x0;
	s5 =	sld [smem:$0x3FAA]  }
0x2b: {  	s6 =	sld [smem:$0x3FAB]  }
0x2c: {  	s7 =	sld [smem:$0x3FAC]  }
0x2d: {  	s3 =	simm.s32 $0x108;
	s8 =	sld [smem:$0x3FAD]  }
0x2e: {  	s3 =	simm.s32 @!p0 $0x1082;
	s9 =	sld [smem:$0x3FAE]  }
0x2f: {  	lr =	sadd.s32 s0, s3;
	s0 =	sld [smem:$0x3FA5]  }
0x30: {  	s3 =	sld [smem:$0x3FA8]  }
0x31: {  	[smem:$0x3FB1] =	sst s10  }
0x32: {  	s10 =	sld [smem:$0x3FAF];
	_ =	sdelay $0x3  }
0x33: {  	p0 =	seq.s32 s10, $0x1;
	s10 =	sld [smem:$0x3FB1];
	_ =	sdelay $0x3  }
0x34: {  	[smem:$0x3FB1] =	sst s10  }
0x35: {  	s10 =	sld [smem:$0x3FB0];
	_ =	sdelay $0x3  }
0x36: {  	p1 =	seq.s32 s10, $0x1;
	s10 =	sld [smem:$0x3FB1];
	_ =	sdelay $0x3  }
0x37: {  	[smem:$0x3FB1] =	sst s10  }
0x38: {  	s10 =	sld [smem:$0x3FB2]  }
0x39: {  	_ = 	snop;
	(pc) =	sbr.ind lr, $3  }
0x3a: {  	_ = 	snop  }
0x3b: {  	_ = 	snop  }
0x3c: {  	p2 =	seq.s32 s10, $0x1;
	s10 =	sld [smem:$0x3FB1]  }
0x3d: {  	_ =	shalt  }
0x3e: {  	_ =	shalt  }
0x3f: {  	_ =	shalt  }
0x40: {  	_ =	shalt  }
0x41: {  	_ =	shalt  }
0x42: {  	_ =	shalt  }
0x43: {  	_ =	shalt  }
0x44: {  	_ =	shalt  }
0x45: {  	_ =	shalt  }
0x46: {  	_ =	shalt  }
0x47: {  	_ =	shalt  }
0x48: {  	_ =	shalt  }
0x49: {  	_ =	shalt  }
0x4a: {  	_ =	shalt  }
0x4b: {  	_ =	shalt  }
0x4c: {  	_ =	shalt  }
0x4d: {  	_ =	shalt  }
0x4e: {  	_ =	shalt  }
0x4f: {  	_ =	shalt  }
0x50: {  	_ =	shalt  }
0x51: {  	_ =	shalt  }
0x52: {  	_ =	shalt  }
0x53: {  	_ =	shalt  }
0x54: {  	_ =	shalt  }
0x55: {  	_ =	shalt  }
0x56: {  	_ =	shalt  }
0x57: {  	_ =	shalt  }
0x58: {  	_ =	shalt  }
0x59: {  	_ =	shalt  }
0x5a: {  	_ =	shalt  }
0x5b: {  	_ =	shalt  }
0x5c: {  	_ =	shalt  }
0x5d: {  	_ =	shalt  }
0x5e: {  	_ =	shalt  }
0x5f: {  	_ =	shalt  }
0x60: {  	_ =	shalt  }
0x61: {  	_ =	shalt  }
0x62: {  	_ =	shalt  }
0x63: {  	_ =	shalt  }
0x64: {  	_ =	shalt  }
0x65: {  	_ =	shalt  }
0x66: {  	_ =	shalt  }
0x67: {  	_ =	shalt  }
0x68: {  	_ =	shalt  }
0x69: {  	_ =	shalt  }
0x6a: {  	_ =	shalt  }
0x6b: {  	_ =	shalt  }
0x6c: {  	_ =	shalt  }
0x6d: {  	_ =	shalt  }
0x6e: {  	_ =	shalt  }
0x6f: {  	_ =	shalt  }
0x70: {  	_ =	shalt  }
0x71: {  	_ =	shalt  }
0x72: {  	_ =	shalt  }
0x73: {  	_ =	shalt  }
0x74: {  	_ =	shalt  }
0x75: {  	_ =	shalt  }
0x76: {  	_ =	shalt  }
0x77: {  	_ =	shalt  }
0x78: {  	_ =	shalt  }
0x79: {  	_ =	shalt  }
0x7a: {  	_ =	shalt  }
0x7b: {  	_ =	shalt  }
0x7c: {  	_ =	shalt  }
0x7d: {  	_ =	shalt  }
0x7e: {  	_ =	shalt  }
0x7f: {  	_ =	shalt  }
0x80: {  	_ =	shalt  }
0x81: {  	_ =	shalt  }
0x82: {  	_ =	shalt  }
0x83: {  	_ =	shalt  }
0x84: {  	_ =	shalt  }
0x85: {  	_ =	shalt  }
0x86: {  	_ =	shalt  }
0x87: {  	_ =	shalt  }
.Lfunc_end0:
.L_simem_size_0:
called_computation.1_lowered:
.L_overlay_start_0:
0x88: {  	s2 =	sld [smem:$0x3FD9]  }
0x89: {  	s3 =	sld [smem:$0x3FFE];
	_ =	sdelay $0x1  }
0x8a: {  	s1 =	srdreg.scid  }
0x8b: {  	s0 =	sand.u32 $0x1, s1  }
0x8c: {  	s16 =	sshll.u32 s0, $0xA;
	s2 =	sadd.s32 s3, s2  }
0x8d: {  	s2 =	sadd.s32 s2, s16  }
0x8e: {  	[smem:$0x3FBD] =	sst s2  }
0x8f: {  	_ = 	snop  }
0x90: {  	(tm) =	ssettm $0x1  }
0x91: {  	s17 =	sld [smem:$0x3FFB];
	_ =	sdelay $0x3  }
0x92: {  	_ =	strace s17  }
0x93: {  	s2 =	sld [smem:$0x3FFC];
	_ =	sdelay $0x3  }
0x94: {  	_ =	strace s2  }
0x95: {  	s2 =	sld [smem:$0x3FFD];
	_ =	sdelay $0x3  }
0x96: {  	_ =	strace s2  }
0x97: {  	_ =	strace $0x8FFFFFFF  }
0x98: {  	s18 =	sld [smem:$0x3FDB];
	_ =	sdelay $0x1  }
0x99: {  	s19 =	simm.s32 $_scs_section_size  }
0x9a: {  	s4 =	simm.s32 $_size__tile_overlayer_lowered;
	s5 =	simm.s32 $_tile_overlayer_lowered  }
0x9b: {  	s22 =	simm.s32 $0x1BFF;
	s21 =	sshll.u32 s5, $0x1;
	s2 =	sadd.s32 s19, s18  }
0x9c: {  	s6 =	simm.s32 $0x0;
	s20 =	sshll.u32 s4, $0x1;
	s4 =	sadd.s32 s21, s2  }
0x9d: {  	[timem:s6], [sflag:s22] =	dma.local [hbm:s4], s20  }
0x9e: {  	_ =	swait.ge [sflag:s22], s20  }
0x9f: {  	s3 =	ssub.s32 $0x0, s20;
	[sflag:s22] =	ssyncset.done $0x0  }
0xa0: {  	[sflag:s22] =	ssyncadd.s32 s3;
	_ =	sdelay $0x1  }
0xa1: {  	s23 =	simm.s32 $0x1B8B  }
0xa2: {  	_ =	swait.ge [sflag:s23], $0x1  }
0xa3: {  	[sflag:s23] =	ssyncset.done $0x0  }
0xa4: {  	s25 =	simm.s32 $0x1B8E;
	s24 =	sld [smem:$0x3FFE];
	[sflag:s23] =	ssyncadd.s32 $0xFFFFFFFF  }
0xa5: {  	s26 =	simm.s32 $execute0_lowered;
	[smem:$0x3FD2] =	sst s25  }
0xa6: {  	s4 =	sshll.u32 s26, $0x1;
	_ =	strace $0x80000049;
	[dreg:$0x1] =	wrdreg $0xFFFFFFFF  }
0xa7: {  	s28 =	simm.s32 $_size_execute0_lowered;
	s2 =	sadd.s32 s2, s4;
	[dreg:$0x0] =	wrdreg $0x0  }
0xa8: {  	s4 =	sshll.u32 s28, $0x1;
	[dreg:$0x2] =	wrdreg s2  }
0xa9: {  	[dreg:$0x3] =	wrdreg s4  }
0xaa: {  	[dreg:$0x4] =	wrdreg $0xC0  }
0xab: {  	_ =	task [dreg:s6], $0x5FFFF  }
0xac: {  	[dreg:$0x1] =	wrdreg $0xFFFFFFFF  }
0xad: {  	[dreg:$0x0] =	wrdreg $0x60  }
0xae: {  	[dreg:$0x2] =	wrdreg s24  }
0xaf: {  	[dreg:$0x3] =	wrdreg $0x29000  }
0xb0: {  	[dreg:$0x4] =	wrdreg $0x9  }
0xb1: {  	_ =	task.clear_ibuf [dreg:s6], $0x5FFFF;
	_ =	strace $0x90000049  }
0xb2: {  	s29 =	simm.s32 $0x9;
	_ =	strace $0x8000004B  }
0xb3: {  	_ =	swait.ge [sflag:s29], $0x1  }
0xb4: {  	[sflag:s29] =	ssyncadd.s32 $0xFFFFFFFF  }
0xb5: {  	_ =	strace $0x9000004B  }
0xb6: {  	_ =	sfence  }
0xb7: {  	s30 =	sld [smem:$0x0];
	_ =	sdelay $0x2  }
0xb8: {  	s31 =	sshll.u32 s1, $0xD;
	s1 =	sshrl.u32 s1, $0x2  }
0xb9: {  	s3 =	sand.u32 $0x4000, s31;
	s1 =	sadd.s32 s1, s30  }
0xba: {  	s0 =	sor.u32 s3, s0;
	s1 =	sshll.u32 s1, $0x11  }
0xbb: {  	s0 =	sor.u32 s1, s0  }
0xbc: {  	s0 =	sadd.s32 $0x8F2B, s0  }
0xbd: {  	[sflag:s0] =	ssyncadd.remote.s32 $0x1  }
0xbe: {  	_ =	sfence.sel $0xFFFF  }
0xbf: {  	[dreg:$0x0] =	wrdreg $0xFFFFFFFF;
	(pc) =	sbr.abs _section_cstart, $3  }
0xc0: {  	[dreg:$0x1] =	wrdreg $0xFFFFFFFF  }
0xc1: {  	_ =	task.clear_ibuf [dreg:s6], $0x2FFFF;
	_ =	strace $0x9FFFFFFF  }
0xc2: {  	(tm) =	ssettm $0x7FFFFFFF  }
0xc3: {  	_ =	shalt  }
tec
execute0_lowered:
.L_overlay_start_1:
0x0: {  	(tag) =	ssettag $0x1  }
0x1: {  	s6 =	rddreg [dreg:$0x0];
	s0 =	srdreg.scid  }
0x2: {  	s2 =	rddreg [dreg:$0x1];
	s1 =	stileid.u32  }
0x3: {  	s3 =	simm.s32 $0x0;
	s15 =	simm.s32 $0x80;
	s16 =	simm.s32 $0x50  }
0x4: {  	s17 =	simm.s32 $0x100;
	s18 =	simm.s32 $0x1;
	s7 =	smul.u32 $0x2710, s1  }
0x5: {  	s5 =	sand.u32 $0x1, s0;
	s0 =	rddreg [dreg:$0x2];
	s8 =	smul.u32 $0x4E000, s1  }
0x6: {  	s19 =	simm.s32 $0x0;
	[smem:$0x7FF] =	sst s3;
	s11 =	smul.u32 $0x13800, s1  }
0x7: {  	s12 =	sadd.s32 $0x40600, s6;
	p0 =	seq.s32 s1, $0xF;
	s4 =	smul.u32 $0x27100, s5  }
0x8: {  	_ =	strace $0x8000004A;
	s9 =	smul.u32 $0x138800, s5;
	s25 =	ssub.s32 $0x2, s5  }
0x9: {  	s5 =	sadd.s32 $0x3DE00, s6;
	s26 =	sshrl.u32 s25, $0x1;
	s28 =	sshrl.u32 s8, $0x2  }
0xa: {  	s7 =	sadd.s32 s7, s4;
	s4 =	sadd.s32 $0x16C00, s6;
	s13 =	ssub.s32 s25, s26  }
0xb: {  	s29 =	sadd.s32 s11, s9;
	s14 =	sadd.s32 s28, s2;
	s31 =	sshrl.u32 s9, $0x3  }
0xc: {  	s11 =	sadd.s32 $0x124800, s2;
	s7 =	sshrl.u32 s7, $0x3;
	s30 =	sshrl.u32 s29, $0x3  }
0xd: {  	s8 =	smax.u32 s13, $0x1;
	s11 =	sshrl.u32 @p0 s11, $0x3;
	s13 =	sshrl.u32 @!p0 s14, $0x3  }
0xe: {  	s14 =	simm.s32 $0x2;
	s10 =	sadd.s32 s7, s6;
	s7 =	sadd.s32 s12, s31  }
0xf: {  	s6 =	sadd.s32 s12, s30;
	s12 =	sshll.u32 @!p0 s1, $0x6;
	s7 =	sadd.s32 $0x24900, s7  }
0x10: {  	s9 =	sadd.s32 $0xCE00, s10;
	s10 =	sadd.s32 $0x3000, s10;
	s12 =	sor.u32 @!p0 $0x1C02, s12  }
.LBB2_1:
0x11: {  	s20 =	simm.s32 @p0 $0x1FC2  }
0x12: {  	[spmem:s11], [sflag:s20] =	dma.local @p0 [hbm:s5], $0x2800  }
0x13: {  	s20 =	simm.s32 @p0 $0x2  }
0x14: {  	_ =	swait.ge @p0 [sflag:s20], $0x2800  }
0x15: {  	[sflag:s20] =	ssyncset.done @p0 $0x0  }
0x16: {  	[sflag:s20] =	ssyncadd.s32 @p0 $0xFFFFD800;
	s20 =	simm.s32 @!p0 $0x2  }
0x17: {  	[spmem:s13], [sflag:s12] =	dma.local @!p0 [hbm:s5], $0x2700  }
0x18: {  	_ =	swait.ge @!p0 [sflag:s20], $0x2700  }
0x19: {  	[sflag:s20] =	ssyncset.done @!p0 $0x0  }
0x1a: {  	[sflag:s20] =	ssyncadd.s32 @!p0 $0xFFFFD900  }
0x1b: {  	s30 =	sadd.s32 $0x0, s10;
	[bflag:$0x0] =	sbarrier.arrive $0xFFFF  }
0x1c: {  	[tilespmem:s3], [sflag:$0x2] =	stream.linear.gather [hbm4b:s30+s3], $0x50, $0x38;
	[tilespmem:$0x16180] =	vst v63  }
0x1d: {  	_ =	swait.ge [sflag:s14], $0x50  }
0x1e: {  	[sflag:s14] =	ssyncset.done $0x0  }
0x1f: {  	s31 =	sadd.s32 $0x0, s9;
	[sflag:s14] =	ssyncadd.s32 $0xFFFFFFB0  }
0x20: {  	[tilespmem:s15], [sflag:$0x2] =	stream.linear.gather [hbm4b:s31+s3], $0x50, $0x38;
	[tilespmem:$0x16180] =	vst v63  }
0x21: {  	_ =	swait.ge [sflag:s14], $0x50  }
0x22: {  	[sflag:s14] =	ssyncset.done $0x0  }
0x23: {  	[sflag:s14] =	ssyncadd.s32 $0xFFFFFFB0  }
0x24: {  	[tilespmem:s17], [sflag:$0x1] =	stream.indirect.gather [hbm4b:s4+s16], $0x80, s3, s16, $0xb8;
	[tilespmem:$0x16180] =	vst v63  }
0x25: {  	_ =	swait.ge [sflag:s18], $0x2800  }
0x26: {  	[sflag:s18] =	ssyncset.done $0x0  }
0x27: {  	[sflag:s18] =	ssyncadd.s32 $0xFFFFD800  }
0x28: {  	[spmem:s2] =	stream.indirect.scatter.add.f32 [tilespmem:s17], [sflag:$0x2], $0x80, s15, s16, $0xb8;
	[tilespmem:$0x16180] =	vst v63  }
0x29: {  	_ =	swait.ge [sflag:s14], $0x2800  }
0x2a: {  	s21 =	simm.s32 $0x14;
	s20 =	simm.s32 $0xA;
	[sflag:s14] =	ssyncset.done $0x0  }
.LBB2_2:
0x2b: {  	s22 =	sadd.s32 s20, s10  }
0x2c: {  	[sflag:s14] =	ssyncadd.s32 $0xFFFFD800;
	s23 =	smov.u32 s21;
	s24 =	sadd.s32 $0xA, s21  }
0x2d: {  	[tilespmem:s3], [sflag:$0x2] =	stream.linear.gather [hbm4b:s22+s3], $0x50, $0x38;
	[tilespmem:$0x16180] =	vst v63  }
0x2e: {  	p1 =	sne.s32 s21, $0x4D8;
	_ =	swait.ge [sflag:s14], $0x50  }
0x2f: {  	[sflag:s14] =	ssyncset.done $0x0  }
0x30: {  	s21 =	sadd.s32 s20, s9;
	s20 =	smov.u32 s23;
	[sflag:s14] =	ssyncadd.s32 $0xFFFFFFB0  }
0x31: {  	[tilespmem:s15], [sflag:$0x2] =	stream.linear.gather [hbm4b:s21+s3], $0x50, $0x38;
	[tilespmem:$0x16180] =	vst v63  }
0x32: {  	_ =	swait.ge [sflag:s14], $0x50  }
0x33: {  	[sflag:s14] =	ssyncset.done $0x0  }
0x34: {  	[sflag:s14] =	ssyncadd.s32 $0xFFFFFFB0  }
0x35: {  	[tilespmem:s17], [sflag:$0x1] =	stream.indirect.gather [hbm4b:s4+s16], $0x80, s3, s16, $0xb8;
	[tilespmem:$0x16180] =	vst v63  }
0x36: {  	_ =	swait.ge [sflag:s18], $0x2800  }
.Ltmp0:
0x37: {  	[sflag:s18] =	ssyncset.done $0x0;
	(pc) =	sbr.rel @p1 .LBB2_2-.Ltmp0, $4  }
0x38: {  	[sflag:s18] =	ssyncadd.s32 $0xFFFFD800  }
0x39: {  	[spmem:s2] =	stream.indirect.scatter.add.f32 [tilespmem:s17], [sflag:$0x2], $0x80, s15, s16, $0xb8;
	[tilespmem:$0x16180] =	vst v63  }
0x3a: {  	_ =	swait.ge [sflag:s14], $0x2800  }
0x3b: {  	s21 =	smov.u32 s24;
	[sflag:s14] =	ssyncset.done $0x0  }
0x3c: {  	s21 =	sadd.s32 s20, s10;
	[sflag:s14] =	ssyncadd.s32 $0xFFFFD800  }
0x3d: {  	[tilespmem:s3], [sflag:$0x2] =	stream.linear.gather [hbm4b:s21+s3], $0x50, $0x38;
	[tilespmem:$0x16180] =	vst v63  }
0x3e: {  	_ =	swait.ge [sflag:s14], $0x50  }
0x3f: {  	[sflag:s14] =	ssyncset.done $0x0  }
0x40: {  	s31 =	sadd.s32 s20, s9;
	[sflag:s14] =	ssyncadd.s32 $0xFFFFFFB0  }
0x41: {  	[tilespmem:s15], [sflag:$0x2] =	stream.linear.gather [hbm4b:s31+s3], $0x50, $0x38;
	[tilespmem:$0x16180] =	vst v63  }
0x42: {  	_ =	swait.ge [sflag:s14], $0x50  }
0x43: {  	[sflag:s14] =	ssyncset.done $0x0  }
0x44: {  	[sflag:s14] =	ssyncadd.s32 $0xFFFFFFB0  }
0x45: {  	[tilespmem:s17], [sflag:$0x1] =	stream.indirect.gather [hbm4b:s4+s16], $0x80, s3, s16, $0xb8;
	[tilespmem:$0x16180] =	vst v63  }
0x46: {  	_ =	swait.ge [sflag:s18], $0x2800  }
0x47: {  	[sflag:s18] =	ssyncset.done $0x0  }
0x48: {  	[sflag:s18] =	ssyncadd.s32 $0xFFFFD800  }
0x49: {  	[spmem:s2] =	stream.indirect.scatter.add.f32 [tilespmem:s17], [sflag:$0x2], $0x80, s15, s16, $0xb8;
	[tilespmem:$0x16180] =	vst v63  }
0x4a: {  	_ =	swait.ge [sflag:s14], $0x2800  }
0x4b: {  	[sflag:s14] =	ssyncset.done $0x0  }
0x4c: {  	[sflag:s14] =	ssyncadd.s32 $0xFFFFD800  }
0x4d: {  	s20 =	simm.s32 @p0 $0x1FC2;
	[bflag:$0x0] =	sbarrier.arrive $0xFFFF  }
0x4e: {  	[hbm:s7], [sflag:s20] =	dma.local @p0 [spmem:s11], $0x2800  }
0x4f: {  	s20 =	simm.s32 @p0 $0x2  }
0x50: {  	s19 =	sadd.s32 $0x1, s19;
	_ =	swait.ge @p0 [sflag:s20], $0x2800  }
0x51: {  	p1 =	sne.s32 s19, s8;
	[sflag:s20] =	ssyncset.done @p0 $0x0  }
.Ltmp1:
0x52: {  	[sflag:s20] =	ssyncadd.s32 @p0 $0xFFFFD800;
	s20 =	simm.s32 @!p0 $0x2;
	(pc) =	sbr.rel @p1 .LBB2_1-.Ltmp1, $4  }
0x53: {  	[hbm:s6], [sflag:s12] =	dma.local @!p0 [spmem:s13], $0x2700  }
0x54: {  	_ =	swait.ge @!p0 [sflag:s20], $0x2700  }
0x55: {  	[sflag:s20] =	ssyncset.done @!p0 $0x0  }
0x56: {  	[sflag:s20] =	ssyncadd.s32 @!p0 $0xFFFFD900  }
0x57: {  	_ =	sfence.sel $0x180000  }
0x58: {  	[bflag:$0x0] =	sbarrier.arrive $0xFFFF  }
0x59: {  	p0 =	sne.s32 s1, $0x0;
	_ =	strace $0x9000004A  }
0x5a: {  	s0 =	sadd.s32 @!p0 $0x100000, s0;
	[bflag:$0x2] =	sbarrier.arrive $0xFFFF  }
0x5b: {  	[sflag:s0] =	ssyncadd.tile.s32 @!p0 $0x1;
	_ =	shalt  }
.Lfunc_end2:
_tile_overlayer_lowered:
.L_overlay_start_2:
0x5c: {  	(tag) =	ssettag $0x2  }
0x5d: {  	s0 =	rddreg [dreg:$0x0];
	s2 =	stileid.u32  }
0x5e: {  	s1 =	rddreg [dreg:$0x1];
	p0 =	sne.s32 s2, $0x0  }
0x5f: {  	s3 =	rddreg [dreg:$0x2];
	[bflag:$0x3] =	sbarrier.arrive $0xFFFF;
	s2 =	simm.s32 @!p0 $0x1C02  }
0x60: {  	[timem:s3], [sflag:s2] =	dma.local @!p0 [hbm:s0], s1  }
0x61: {  	s0 =	simm.s32 @!p0 $0x2  }
0x62: {  	_ =	swait.ge @!p0 [sflag:s0], s1  }
0x63: {  	s1 =	ssub.s32 @!p0 $0x0, s1;
	[sflag:s0] =	ssyncset.done @!p0 $0x0  }
0x64: {  	[sflag:s0] =	ssyncadd.s32 @!p0 s1  }
0x65: {  	[bflag:$0x3] =	sbarrier.arrive $0xFFFF  }
0x66: {  	_ =	shalt  }

// kernel: kernel.16.cloned.1.call-start
scs
__scs_entry_jumppad:
0x0: {  	(pc) =	sbr.rel $0x88, $3  }
0x1: {  	(tag) =	ssettag $0x0;
	lr =	simm.s32 $0x1  }
0x2: {  	[smem:$0x3F96] =	sst lr;
	_ =	strace $0xD0000000  }
0x3: {  	_ = 	snop  }
0x4: {  	_ = 	snop  }
0x5: {  	_ = 	snop  }
0x6: {  	_ = 	snop  }
0x7: {  	_ = 	snop  }
__scs_overlays_trampoline_lowered:
0x8: {  	[smem:$0x3FA5] =	sst s0  }
0x9: {  	[smem:$0x3FA6] =	sst s1  }
0xa: {  	[smem:$0x3FA7] =	sst s2  }
0xb: {  	[smem:$0x3FA8] =	sst s3  }
0xc: {  	[smem:$0x3FA9] =	sst s4  }
0xd: {  	[smem:$0x3FAA] =	sst s5  }
0xe: {  	[smem:$0x3FAB] =	sst s6  }
0xf: {  	[smem:$0x3FAC] =	sst s7  }
0x10: {  	[smem:$0x3FAD] =	sst s8  }
0x11: {  	[smem:$0x3FAE] =	sst s9;
	s0 =	simm.s32 @!p0 $0x0  }
0x12: {  	s1 =	sld [smem:$0x3F94];
	s0 =	simm.s32 @p0 $0x1  }
0x13: {  	[smem:$0x3FAF] =	sst s0;
	s0 =	simm.s32 @!p1 $0x0  }
0x14: {  	s2 =	sld [smem:$0x3F93];
	s0 =	simm.s32 @p1 $0x1  }
0x15: {  	[smem:$0x3FB0] =	sst s0;
	s0 =	simm.s32 @!p2 $0x0  }
0x16: {  	s3 =	sld [smem:$0x3FDB];
	s0 =	simm.s32 @p2 $0x1  }
0x17: {  	s4 =	simm.s32 $0x1BF5;
	[smem:$0x3FB2] =	sst s0  }
0x18: {  	s0 =	sld [smem:$0x3F95];
	_ =	swait.ge [sflag:s4], $0x0  }
0x19: {  	s7 =	sld [smem:$0x3F96]  }
0x1a: {  	s8 =	sadd.s32 $0xFFFFE003, lr  }
0x1b: {  	s9 =	sadd.s32 $0xFFFFFEF7, lr;
	s5 =	simm.s32 $0xFFFFFFFF;
	p2 =	slt.u32 s8, $0xFFFFF086  }
0x1c: {  	p1 =	slt.u32 s9, $0xF7A;
	s5 =	simm.s32 @!p2 $0x0  }
0x1d: {  	s5 =	simm.s32 @p1 $0x1;
	p0 =	seq.s32 s7, s2  }
0x1e: {  	s7 =	smul.u32 @!p0 $0xF7A, s2;
	p2 =	seq.s32 @!p0 s5, $0x0  }
0x1f: {  	s9 =	smul.u32 $0xF7A, s1;
	s8 =	simm.s32 @!p0 $0x1BF5;
	p2 =	por !p2, p0  }
0x20: {  	[sflag:s8] =	ssyncset.s32 @!p0 $0xFFFFF086;
	s6 =	sadd.s32 @!p0 s3, s7;
	s7 =	simm.s32 @!p0 $0x108  }
0x21: {  	s3 =	sadd.s32 s3, s9;
	s6 =	sadd.s32 @!p0 $0x88, s6;
	s7 =	simm.s32 @p2 $0x1082  }
0x22: {  	[simem:s7], [sflag:s8] =	dma.local @!p0 [hbm:s6], $0xF7A  }
0x23: {  	s9 =	sor.u32 $0xD0000000, s2;
	s6 =	simm.s32 $0x108;
	_ =	swait.ge @!p0 [sflag:s8], $0x0  }
0x24: {  	s3 =	sadd.s32 $0x88, s3;
	s6 =	simm.s32 @!p1 $0x1082;
	[sflag:s4] =	ssyncset.s32 $0xFFFFF086  }
0x25: {  	[simem:s6], [sflag:s4] =	dma.local [hbm:s3], $0xF7A  }
0x26: {  	[smem:$0x3F96] =	sst s1;
	(tag) =	ssettag s2;
	_ =	strace s9  }
0x27: {  	s1 =	sld [smem:$0x3FA6]  }
0x28: {  	s2 =	sld [smem:$0x3FA7]  }
0x29: {  	s4 =	sld [smem:$0x3FA9]  }
0x2a: {  	p0 =	seq.s32 s5, $0x0;
	s5 =	sld [smem:$0x3FAA]  }
0x2b: {  	s6 =	sld [smem:$0x3FAB]  }
0x2c: {  	s7 =	sld [smem:$0x3FAC]  }
0x2d: {  	s3 =	simm.s32 $0x108;
	s8 =	sld [smem:$0x3FAD]  }
0x2e: {  	s3 =	simm.s32 @!p0 $0x1082;
	s9 =	sld [smem:$0x3FAE]  }
0x2f: {  	lr =	sadd.s32 s0, s3;
	s0 =	sld [smem:$0x3FA5]  }
0x30: {  	s3 =	sld [smem:$0x3FA8]  }
0x31: {  	[smem:$0x3FB1] =	sst s10  }
0x32: {  	s10 =	sld [smem:$0x3FAF];
	_ =	sdelay $0x3  }
0x33: {  	p0 =	seq.s32 s10, $0x1;
	s10 =	sld [smem:$0x3FB1];
	_ =	sdelay $0x3  }
0x34: {  	[smem:$0x3FB1] =	sst s10  }
0x35: {  	s10 =	sld [smem:$0x3FB0];
	_ =	sdelay $0x3  }
0x36: {  	p1 =	seq.s32 s10, $0x1;
	s10 =	sld [smem:$0x3FB1];
	_ =	sdelay $0x3  }
0x37: {  	[smem:$0x3FB1] =	sst s10  }
0x38: {  	s10 =	sld [smem:$0x3FB2]  }
0x39: {  	_ = 	snop;
	(pc) =	sbr.ind lr, $3  }
0x3a: {  	_ = 	snop  }
0x3b: {  	_ = 	snop  }
0x3c: {  	p2 =	seq.s32 s10, $0x1;
	s10 =	sld [smem:$0x3FB1]  }
0x3d: {  	_ =	shalt  }
0x3e: {  	_ =	shalt  }
0x3f: {  	_ =	shalt  }
0x40: {  	_ =	shalt  }
0x41: {  	_ =	shalt  }
0x42: {  	_ =	shalt  }
0x43: {  	_ =	shalt  }
0x44: {  	_ =	shalt  }
0x45: {  	_ =	shalt  }
0x46: {  	_ =	shalt  }
0x47: {  	_ =	shalt  }
0x48: {  	_ =	shalt  }
0x49: {  	_ =	shalt  }
0x4a: {  	_ =	shalt  }
0x4b: {  	_ =	shalt  }
0x4c: {  	_ =	shalt  }
0x4d: {  	_ =	shalt  }
0x4e: {  	_ =	shalt  }
0x4f: {  	_ =	shalt  }
0x50: {  	_ =	shalt  }
0x51: {  	_ =	shalt  }
0x52: {  	_ =	shalt  }
0x53: {  	_ =	shalt  }
0x54: {  	_ =	shalt  }
0x55: {  	_ =	shalt  }
0x56: {  	_ =	shalt  }
0x57: {  	_ =	shalt  }
0x58: {  	_ =	shalt  }
0x59: {  	_ =	shalt  }
0x5a: {  	_ =	shalt  }
0x5b: {  	_ =	shalt  }
0x5c: {  	_ =	shalt  }
0x5d: {  	_ =	shalt  }
0x5e: {  	_ =	shalt  }
0x5f: {  	_ =	shalt  }
0x60: {  	_ =	shalt  }
0x61: {  	_ =	shalt  }
0x62: {  	_ =	shalt  }
0x63: {  	_ =	shalt  }
0x64: {  	_ =	shalt  }
0x65: {  	_ =	shalt  }
0x66: {  	_ =	shalt  }
0x67: {  	_ =	shalt  }
0x68: {  	_ =	shalt  }
0x69: {  	_ =	shalt  }
0x6a: {  	_ =	shalt  }
0x6b: {  	_ =	shalt  }
0x6c: {  	_ =	shalt  }
0x6d: {  	_ =	shalt  }
0x6e: {  	_ =	shalt  }
0x6f: {  	_ =	shalt  }
0x70: {  	_ =	shalt  }
0x71: {  	_ =	shalt  }
0x72: {  	_ =	shalt  }
0x73: {  	_ =	shalt  }
0x74: {  	_ =	shalt  }
0x75: {  	_ =	shalt  }
0x76: {  	_ =	shalt  }
0x77: {  	_ =	shalt  }
0x78: {  	_ =	shalt  }
0x79: {  	_ =	shalt  }
0x7a: {  	_ =	shalt  }
0x7b: {  	_ =	shalt  }
0x7c: {  	_ =	shalt  }
0x7d: {  	_ =	shalt  }
0x7e: {  	_ =	shalt  }
0x7f: {  	_ =	shalt  }
0x80: {  	_ =	shalt  }
0x81: {  	_ =	shalt  }
0x82: {  	_ =	shalt  }
0x83: {  	_ =	shalt  }
0x84: {  	_ =	shalt  }
0x85: {  	_ =	shalt  }
0x86: {  	_ =	shalt  }
0x87: {  	_ =	shalt  }
.Lfunc_end0:
.L_simem_size_0:
called_computation.2_lowered:
.L_overlay_start_0:
0x88: {  	s2 =	sld [smem:$0x3FD9]  }
0x89: {  	s3 =	sld [smem:$0x3FFE];
	_ =	sdelay $0x1  }
0x8a: {  	s1 =	srdreg.scid  }
0x8b: {  	s0 =	sand.u32 $0x1, s1  }
0x8c: {  	s16 =	sshll.u32 s0, $0xA;
	s2 =	sadd.s32 s3, s2  }
0x8d: {  	s2 =	sadd.s32 s2, s16  }
0x8e: {  	[smem:$0x3FBD] =	sst s2  }
0x8f: {  	_ = 	snop  }
0x90: {  	(tm) =	ssettm $0x1  }
0x91: {  	s17 =	sld [smem:$0x3FFB];
	_ =	sdelay $0x3  }
0x92: {  	_ =	strace s17  }
0x93: {  	s2 =	sld [smem:$0x3FFC];
	_ =	sdelay $0x3  }
0x94: {  	_ =	strace s2  }
0x95: {  	s2 =	sld [smem:$0x3FFD];
	_ =	sdelay $0x3  }
0x96: {  	_ =	strace s2  }
0x97: {  	_ =	strace $0x8FFFFFFF  }
0x98: {  	s18 =	sld [smem:$0x3FDB];
	_ =	sdelay $0x1  }
0x99: {  	s19 =	simm.s32 $_scs_section_size  }
0x9a: {  	s4 =	simm.s32 $_size__tile_overlayer_lowered;
	s5 =	simm.s32 $_tile_overlayer_lowered  }
0x9b: {  	s22 =	simm.s32 $0x1BFF;
	s21 =	sshll.u32 s5, $0x1;
	s2 =	sadd.s32 s19, s18  }
0x9c: {  	s6 =	simm.s32 $0x0;
	s20 =	sshll.u32 s4, $0x1;
	s4 =	sadd.s32 s21, s2  }
0x9d: {  	[timem:s6], [sflag:s22] =	dma.local [hbm:s4], s20  }
0x9e: {  	_ =	swait.ge [sflag:s22], s20  }
0x9f: {  	s3 =	ssub.s32 $0x0, s20;
	[sflag:s22] =	ssyncset.done $0x0  }
0xa0: {  	[sflag:s22] =	ssyncadd.s32 s3;
	_ =	sdelay $0x1  }
0xa1: {  	s23 =	simm.s32 $0x1B8B  }
0xa2: {  	_ =	swait.ge [sflag:s23], $0x1  }
0xa3: {  	[sflag:s23] =	ssyncset.done $0x0  }
0xa4: {  	s25 =	simm.s32 $0x1B8E;
	s24 =	sld [smem:$0x3FFE];
	[sflag:s23] =	ssyncadd.s32 $0xFFFFFFFF  }
0xa5: {  	s26 =	simm.s32 $execute0_lowered;
	[smem:$0x3FD2] =	sst s25  }
0xa6: {  	s4 =	sshll.u32 s26, $0x1;
	_ =	strace $0x8000004C;
	[dreg:$0x1] =	wrdreg $0xFFFFFFFF  }
0xa7: {  	s28 =	simm.s32 $_size_execute0_lowered;
	s2 =	sadd.s32 s2, s4;
	[dreg:$0x0] =	wrdreg $0x0  }
0xa8: {  	s4 =	sshll.u32 s28, $0x1;
	[dreg:$0x2] =	wrdreg s2  }
0xa9: {  	[dreg:$0x3] =	wrdreg s4  }
0xaa: {  	[dreg:$0x4] =	wrdreg $0xC0  }
0xab: {  	_ =	task [dreg:s6], $0x5FFFF  }
0xac: {  	[dreg:$0x1] =	wrdreg $0xFFFFFFFF  }
0xad: {  	[dreg:$0x0] =	wrdreg $0x60  }
0xae: {  	[dreg:$0x2] =	wrdreg s24  }
0xaf: {  	[dreg:$0x3] =	wrdreg $0x29000  }
0xb0: {  	[dreg:$0x4] =	wrdreg $0x9  }
0xb1: {  	_ =	task.clear_ibuf [dreg:s6], $0x5FFFF;
	_ =	strace $0x9000004C  }
0xb2: {  	s29 =	simm.s32 $0x9;
	_ =	strace $0x8000004E  }
0xb3: {  	_ =	swait.ge [sflag:s29], $0x1  }
0xb4: {  	[sflag:s29] =	ssyncadd.s32 $0xFFFFFFFF  }
0xb5: {  	_ =	strace $0x9000004E  }
0xb6: {  	_ =	sfence  }
0xb7: {  	s30 =	sld [smem:$0x0];
	_ =	sdelay $0x2  }
0xb8: {  	s31 =	sshll.u32 s1, $0xD;
	s1 =	sshrl.u32 s1, $0x2  }
0xb9: {  	s3 =	sand.u32 $0x4000, s31;
	s1 =	sadd.s32 s1, s30  }
0xba: {  	s0 =	sor.u32 s3, s0;
	s1 =	sshll.u32 s1, $0x11  }
0xbb: {  	s0 =	sor.u32 s1, s0  }
0xbc: {  	s0 =	sadd.s32 $0x8F2B, s0  }
0xbd: {  	[sflag:s0] =	ssyncadd.remote.s32 $0x1  }
0xbe: {  	_ =	sfence.sel $0xFFFF  }
0xbf: {  	[dreg:$0x0] =	wrdreg $0xFFFFFFFF;
	(pc) =	sbr.abs _section_cstart, $3  }
0xc0: {  	[dreg:$0x1] =	wrdreg $0xFFFFFFFF  }
0xc1: {  	_ =	task.clear_ibuf [dreg:s6], $0x2FFFF;
	_ =	strace $0x9FFFFFFF  }
0xc2: {  	(tm) =	ssettm $0x7FFFFFFF  }
0xc3: {  	_ =	shalt  }
tec
execute0_lowered:
.L_overlay_start_1:
0x0: {  	(tag) =	ssettag $0x1  }
0x1: {  	s6 =	rddreg [dreg:$0x0];
	s0 =	srdreg.scid  }
0x2: {  	s2 =	rddreg [dreg:$0x1];
	s1 =	stileid.u32  }
0x3: {  	s3 =	simm.s32 $0x0;
	s15 =	simm.s32 $0x80;
	s16 =	simm.s32 $0x50  }
0x4: {  	s17 =	simm.s32 $0x100;
	s18 =	simm.s32 $0x1;
	s7 =	smul.u32 $0x2710, s1  }
0x5: {  	s5 =	sand.u32 $0x1, s0;
	s0 =	rddreg [dreg:$0x2];
	s8 =	smul.u32 $0x4E000, s1  }
0x6: {  	s19 =	simm.s32 $0x0;
	[smem:$0x7FF] =	sst s3;
	s11 =	smul.u32 $0x13800, s1  }
0x7: {  	s12 =	sadd.s32 $0x40600, s6;
	p0 =	seq.s32 s1, $0xF;
	s4 =	smul.u32 $0x27100, s5  }
0x8: {  	_ =	strace $0x8000004D;
	s9 =	smul.u32 $0x138800, s5;
	s25 =	ssub.s32 $0x2, s5  }
0x9: {  	s5 =	sadd.s32 $0x3DE00, s6;
	s26 =	sshrl.u32 s25, $0x1;
	s28 =	sshrl.u32 s8, $0x2  }
0xa: {  	s7 =	sadd.s32 s7, s4;
	s4 =	sadd.s32 $0x16C00, s6;
	s13 =	ssub.s32 s25, s26  }
0xb: {  	s29 =	sadd.s32 s11, s9;
	s14 =	sadd.s32 s28, s2;
	s31 =	sshrl.u32 s9, $0x3  }
0xc: {  	s11 =	sadd.s32 $0x124800, s2;
	s7 =	sshrl.u32 s7, $0x3;
	s30 =	sshrl.u32 s29, $0x3  }
0xd: {  	s8 =	smax.u32 s13, $0x1;
	s11 =	sshrl.u32 @p0 s11, $0x3;
	s13 =	sshrl.u32 @!p0 s14, $0x3  }
0xe: {  	s14 =	simm.s32 $0x2;
	s10 =	sadd.s32 s7, s6;
	s7 =	sadd.s32 s12, s31  }
0xf: {  	s6 =	sadd.s32 s12, s30;
	s12 =	sshll.u32 @!p0 s1, $0x6;
	s7 =	sadd.s32 $0x24900, s7  }
0x10: {  	s9 =	sadd.s32 $0xCE00, s10;
	s10 =	sadd.s32 $0x3000, s10;
	s12 =	sor.u32 @!p0 $0x1C02, s12  }
.LBB2_1:
0x11: {  	s20 =	simm.s32 @p0 $0x1FC2  }
0x12: {  	[spmem:s11], [sflag:s20] =	dma.local @p0 [hbm:s5], $0x2800  }
0x13: {  	s20 =	simm.s32 @p0 $0x2  }
0x14: {  	_ =	swait.ge @p0 [sflag:s20], $0x2800  }
0x15: {  	[sflag:s20] =	ssyncset.done @p0 $0x0  }
0x16: {  	[sflag:s20] =	ssyncadd.s32 @p0 $0xFFFFD800;
	s20 =	simm.s32 @!p0 $0x2  }
0x17: {  	[spmem:s13], [sflag:s12] =	dma.local @!p0 [hbm:s5], $0x2700  }
0x18: {  	_ =	swait.ge @!p0 [sflag:s20], $0x2700  }
0x19: {  	[sflag:s20] =	ssyncset.done @!p0 $0x0  }
0x1a: {  	[sflag:s20] =	ssyncadd.s32 @!p0 $0xFFFFD900  }
0x1b: {  	s30 =	sadd.s32 $0x0, s10;
	[bflag:$0x0] =	sbarrier.arrive $0xFFFF  }
0x1c: {  	[tilespmem:s3], [sflag:$0x2] =	stream.linear.gather [hbm4b:s30+s3], $0x50, $0x38;
	[tilespmem:$0x16180] =	vst v63  }
0x1d: {  	_ =	swait.ge [sflag:s14], $0x50  }
0x1e: {  	[sflag:s14] =	ssyncset.done $0x0  }
0x1f: {  	s31 =	sadd.s32 $0x0, s9;
	[sflag:s14] =	ssyncadd.s32 $0xFFFFFFB0  }
0x20: {  	[tilespmem:s15], [sflag:$0x2] =	stream.linear.gather [hbm4b:s31+s3], $0x50, $0x38;
	[tilespmem:$0x16180] =	vst v63  }
0x21: {  	_ =	swait.ge [sflag:s14], $0x50  }
0x22: {  	[sflag:s14] =	ssyncset.done $0x0  }
0x23: {  	[sflag:s14] =	ssyncadd.s32 $0xFFFFFFB0  }
0x24: {  	[tilespmem:s17], [sflag:$0x1] =	stream.indirect.gather [hbm4b:s4+s16], $0x80, s3, s16, $0xb8;
	[tilespmem:$0x16180] =	vst v63  }
0x25: {  	_ =	swait.ge [sflag:s18], $0x2800  }
0x26: {  	[sflag:s18] =	ssyncset.done $0x0  }
0x27: {  	[sflag:s18] =	ssyncadd.s32 $0xFFFFD800  }
0x28: {  	[spmem:s2] =	stream.indirect.scatter.add.f32 [tilespmem:s17], [sflag:$0x2], $0x80, s15, s16, $0xb8;
	[tilespmem:$0x16180] =	vst v63  }
0x29: {  	_ =	swait.ge [sflag:s14], $0x2800  }
0x2a: {  	s21 =	simm.s32 $0x14;
	s20 =	simm.s32 $0xA;
	[sflag:s14] =	ssyncset.done $0x0  }
.LBB2_2:
0x2b: {  	s22 =	sadd.s32 s20, s10  }
0x2c: {  	[sflag:s14] =	ssyncadd.s32 $0xFFFFD800;
	s23 =	smov.u32 s21;
	s24 =	sadd.s32 $0xA, s21  }
0x2d: {  	[tilespmem:s3], [sflag:$0x2] =	stream.linear.gather [hbm4b:s22+s3], $0x50, $0x38;
	[tilespmem:$0x16180] =	vst v63  }
0x2e: {  	p1 =	sne.s32 s21, $0x4D8;
	_ =	swait.ge [sflag:s14], $0x50  }
0x2f: {  	[sflag:s14] =	ssyncset.done $0x0  }
0x30: {  	s21 =	sadd.s32 s20, s9;
	s20 =	smov.u32 s23;
	[sflag:s14] =	ssyncadd.s32 $0xFFFFFFB0  }
0x31: {  	[tilespmem:s15], [sflag:$0x2] =	stream.linear.gather [hbm4b:s21+s3], $0x50, $0x38;
	[tilespmem:$0x16180] =	vst v63  }
0x32: {  	_ =	swait.ge [sflag:s14], $0x50  }
0x33: {  	[sflag:s14] =	ssyncset.done $0x0  }
0x34: {  	[sflag:s14] =	ssyncadd.s32 $0xFFFFFFB0  }
0x35: {  	[tilespmem:s17], [sflag:$0x1] =	stream.indirect.gather [hbm4b:s4+s16], $0x80, s3, s16, $0xb8;
	[tilespmem:$0x16180] =	vst v63  }
0x36: {  	_ =	swait.ge [sflag:s18], $0x2800  }
.Ltmp0:
0x37: {  	[sflag:s18] =	ssyncset.done $0x0;
	(pc) =	sbr.rel @p1 .LBB2_2-.Ltmp0, $4  }
0x38: {  	[sflag:s18] =	ssyncadd.s32 $0xFFFFD800  }
0x39: {  	[spmem:s2] =	stream.indirect.scatter.add.f32 [tilespmem:s17], [sflag:$0x2], $0x80, s15, s16, $0xb8;
	[tilespmem:$0x16180] =	vst v63  }
0x3a: {  	_ =	swait.ge [sflag:s14], $0x2800  }
0x3b: {  	s21 =	smov.u32 s24;
	[sflag:s14] =	ssyncset.done $0x0  }
0x3c: {  	s21 =	sadd.s32 s20, s10;
	[sflag:s14] =	ssyncadd.s32 $0xFFFFD800  }
0x3d: {  	[tilespmem:s3], [sflag:$0x2] =	stream.linear.gather [hbm4b:s21+s3], $0x50, $0x38;
	[tilespmem:$0x16180] =	vst v63  }
0x3e: {  	_ =	swait.ge [sflag:s14], $0x50  }
0x3f: {  	[sflag:s14] =	ssyncset.done $0x0  }
0x40: {  	s31 =	sadd.s32 s20, s9;
	[sflag:s14] =	ssyncadd.s32 $0xFFFFFFB0  }
0x41: {  	[tilespmem:s15], [sflag:$0x2] =	stream.linear.gather [hbm4b:s31+s3], $0x50, $0x38;
	[tilespmem:$0x16180] =	vst v63  }
0x42: {  	_ =	swait.ge [sflag:s14], $0x50  }
0x43: {  	[sflag:s14] =	ssyncset.done $0x0  }
0x44: {  	[sflag:s14] =	ssyncadd.s32 $0xFFFFFFB0  }
0x45: {  	[tilespmem:s17], [sflag:$0x1] =	stream.indirect.gather [hbm4b:s4+s16], $0x80, s3, s16, $0xb8;
	[tilespmem:$0x16180] =	vst v63  }
0x46: {  	_ =	swait.ge [sflag:s18], $0x2800  }
0x47: {  	[sflag:s18] =	ssyncset.done $0x0  }
0x48: {  	[sflag:s18] =	ssyncadd.s32 $0xFFFFD800  }
0x49: {  	[spmem:s2] =	stream.indirect.scatter.add.f32 [tilespmem:s17], [sflag:$0x2], $0x80, s15, s16, $0xb8;
	[tilespmem:$0x16180] =	vst v63  }
0x4a: {  	_ =	swait.ge [sflag:s14], $0x2800  }
0x4b: {  	[sflag:s14] =	ssyncset.done $0x0  }
0x4c: {  	[sflag:s14] =	ssyncadd.s32 $0xFFFFD800  }
0x4d: {  	s20 =	simm.s32 @p0 $0x1FC2;
	[bflag:$0x0] =	sbarrier.arrive $0xFFFF  }
0x4e: {  	[hbm:s7], [sflag:s20] =	dma.local @p0 [spmem:s11], $0x2800  }
0x4f: {  	s20 =	simm.s32 @p0 $0x2  }
0x50: {  	s19 =	sadd.s32 $0x1, s19;
	_ =	swait.ge @p0 [sflag:s20], $0x2800  }
0x51: {  	p1 =	sne.s32 s19, s8;
	[sflag:s20] =	ssyncset.done @p0 $0x0  }
.Ltmp1:
0x52: {  	[sflag:s20] =	ssyncadd.s32 @p0 $0xFFFFD800;
	s20 =	simm.s32 @!p0 $0x2;
	(pc) =	sbr.rel @p1 .LBB2_1-.Ltmp1, $4  }
0x53: {  	[hbm:s6], [sflag:s12] =	dma.local @!p0 [spmem:s13], $0x2700  }
0x54: {  	_ =	swait.ge @!p0 [sflag:s20], $0x2700  }
0x55: {  	[sflag:s20] =	ssyncset.done @!p0 $0x0  }
0x56: {  	[sflag:s20] =	ssyncadd.s32 @!p0 $0xFFFFD900  }
0x57: {  	_ =	sfence.sel $0x180000  }
0x58: {  	[bflag:$0x0] =	sbarrier.arrive $0xFFFF  }
0x59: {  	p0 =	sne.s32 s1, $0x0;
	_ =	strace $0x9000004D  }
0x5a: {  	s0 =	sadd.s32 @!p0 $0x100000, s0;
	[bflag:$0x2] =	sbarrier.arrive $0xFFFF  }
0x5b: {  	[sflag:s0] =	ssyncadd.tile.s32 @!p0 $0x1;
	_ =	shalt  }
.Lfunc_end2:
_tile_overlayer_lowered:
.L_overlay_start_2:
0x5c: {  	(tag) =	ssettag $0x2  }
0x5d: {  	s0 =	rddreg [dreg:$0x0];
	s2 =	stileid.u32  }
0x5e: {  	s1 =	rddreg [dreg:$0x1];
	p0 =	sne.s32 s2, $0x0  }
0x5f: {  	s3 =	rddreg [dreg:$0x2];
	[bflag:$0x3] =	sbarrier.arrive $0xFFFF;
	s2 =	simm.s32 @!p0 $0x1C02  }
0x60: {  	[timem:s3], [sflag:s2] =	dma.local @!p0 [hbm:s0], s1  }
0x61: {  	s0 =	simm.s32 @!p0 $0x2  }
0x62: {  	_ =	swait.ge @!p0 [sflag:s0], s1  }
0x63: {  	s1 =	ssub.s32 @!p0 $0x0, s1;
	[sflag:s0] =	ssyncset.done @!p0 $0x0  }
0x64: {  	[sflag:s0] =	ssyncadd.s32 @!p0 s1  }
0x65: {  	[bflag:$0x3] =	sbarrier.arrive $0xFFFF  }
0x66: {  	_ =	shalt  }

// kernel: kernel.19.cloned.1.call-start
scs
__scs_entry_jumppad:
0x0: {  	(pc) =	sbr.rel $0x88, $3  }
0x1: {  	(tag) =	ssettag $0x0;
	lr =	simm.s32 $0x1  }
0x2: {  	[smem:$0x3F96] =	sst lr;
	_ =	strace $0xD0000000  }
0x3: {  	_ = 	snop  }
0x4: {  	_ = 	snop  }
0x5: {  	_ = 	snop  }
0x6: {  	_ = 	snop  }
0x7: {  	_ = 	snop  }
__scs_overlays_trampoline_lowered:
0x8: {  	[smem:$0x3FA5] =	sst s0  }
0x9: {  	[smem:$0x3FA6] =	sst s1  }
0xa: {  	[smem:$0x3FA7] =	sst s2  }
0xb: {  	[smem:$0x3FA8] =	sst s3  }
0xc: {  	[smem:$0x3FA9] =	sst s4  }
0xd: {  	[smem:$0x3FAA] =	sst s5  }
0xe: {  	[smem:$0x3FAB] =	sst s6  }
0xf: {  	[smem:$0x3FAC] =	sst s7  }
0x10: {  	[smem:$0x3FAD] =	sst s8  }
0x11: {  	[smem:$0x3FAE] =	sst s9;
	s0 =	simm.s32 @!p0 $0x0  }
0x12: {  	s1 =	sld [smem:$0x3F94];
	s0 =	simm.s32 @p0 $0x1  }
0x13: {  	[smem:$0x3FAF] =	sst s0;
	s0 =	simm.s32 @!p1 $0x0  }
0x14: {  	s2 =	sld [smem:$0x3F93];
	s0 =	simm.s32 @p1 $0x1  }
0x15: {  	[smem:$0x3FB0] =	sst s0;
	s0 =	simm.s32 @!p2 $0x0  }
0x16: {  	s3 =	sld [smem:$0x3FDB];
	s0 =	simm.s32 @p2 $0x1  }
0x17: {  	s4 =	simm.s32 $0x1BF5;
	[smem:$0x3FB2] =	sst s0  }
0x18: {  	s0 =	sld [smem:$0x3F95];
	_ =	swait.ge [sflag:s4], $0x0  }
0x19: {  	s7 =	sld [smem:$0x3F96]  }
0x1a: {  	s8 =	sadd.s32 $0xFFFFE003, lr  }
0x1b: {  	s9 =	sadd.s32 $0xFFFFFEF7, lr;
	s5 =	simm.s32 $0xFFFFFFFF;
	p2 =	slt.u32 s8, $0xFFFFF086  }
0x1c: {  	p1 =	slt.u32 s9, $0xF7A;
	s5 =	simm.s32 @!p2 $0x0  }
0x1d: {  	s5 =	simm.s32 @p1 $0x1;
	p0 =	seq.s32 s7, s2  }
0x1e: {  	s7 =	smul.u32 @!p0 $0xF7A, s2;
	p2 =	seq.s32 @!p0 s5, $0x0  }
0x1f: {  	s9 =	smul.u32 $0xF7A, s1;
	s8 =	simm.s32 @!p0 $0x1BF5;
	p2 =	por !p2, p0  }
0x20: {  	[sflag:s8] =	ssyncset.s32 @!p0 $0xFFFFF086;
	s6 =	sadd.s32 @!p0 s3, s7;
	s7 =	simm.s32 @!p0 $0x108  }
0x21: {  	s3 =	sadd.s32 s3, s9;
	s6 =	sadd.s32 @!p0 $0x88, s6;
	s7 =	simm.s32 @p2 $0x1082  }
0x22: {  	[simem:s7], [sflag:s8] =	dma.local @!p0 [hbm:s6], $0xF7A  }
0x23: {  	s9 =	sor.u32 $0xD0000000, s2;
	s6 =	simm.s32 $0x108;
	_ =	swait.ge @!p0 [sflag:s8], $0x0  }
0x24: {  	s3 =	sadd.s32 $0x88, s3;
	s6 =	simm.s32 @!p1 $0x1082;
	[sflag:s4] =	ssyncset.s32 $0xFFFFF086  }
0x25: {  	[simem:s6], [sflag:s4] =	dma.local [hbm:s3], $0xF7A  }
0x26: {  	[smem:$0x3F96] =	sst s1;
	(tag) =	ssettag s2;
	_ =	strace s9  }
0x27: {  	s1 =	sld [smem:$0x3FA6]  }
0x28: {  	s2 =	sld [smem:$0x3FA7]  }
0x29: {  	s4 =	sld [smem:$0x3FA9]  }
0x2a: {  	p0 =	seq.s32 s5, $0x0;
	s5 =	sld [smem:$0x3FAA]  }
0x2b: {  	s6 =	sld [smem:$0x3FAB]  }
0x2c: {  	s7 =	sld [smem:$0x3FAC]  }
0x2d: {  	s3 =	simm.s32 $0x108;
	s8 =	sld [smem:$0x3FAD]  }
0x2e: {  	s3 =	simm.s32 @!p0 $0x1082;
	s9 =	sld [smem:$0x3FAE]  }
0x2f: {  	lr =	sadd.s32 s0, s3;
	s0 =	sld [smem:$0x3FA5]  }
0x30: {  	s3 =	sld [smem:$0x3FA8]  }
0x31: {  	[smem:$0x3FB1] =	sst s10  }
0x32: {  	s10 =	sld [smem:$0x3FAF];
	_ =	sdelay $0x3  }
0x33: {  	p0 =	seq.s32 s10, $0x1;
	s10 =	sld [smem:$0x3FB1];
	_ =	sdelay $0x3  }
0x34: {  	[smem:$0x3FB1] =	sst s10  }
0x35: {  	s10 =	sld [smem:$0x3FB0];
	_ =	sdelay $0x3  }
0x36: {  	p1 =	seq.s32 s10, $0x1;
	s10 =	sld [smem:$0x3FB1];
	_ =	sdelay $0x3  }
0x37: {  	[smem:$0x3FB1] =	sst s10  }
0x38: {  	s10 =	sld [smem:$0x3FB2]  }
0x39: {  	_ = 	snop;
	(pc) =	sbr.ind lr, $3  }
0x3a: {  	_ = 	snop  }
0x3b: {  	_ = 	snop  }
0x3c: {  	p2 =	seq.s32 s10, $0x1;
	s10 =	sld [smem:$0x3FB1]  }
0x3d: {  	_ =	shalt  }
0x3e: {  	_ =	shalt  }
0x3f: {  	_ =	shalt  }
0x40: {  	_ =	shalt  }
0x41: {  	_ =	shalt  }
0x42: {  	_ =	shalt  }
0x43: {  	_ =	shalt  }
0x44: {  	_ =	shalt  }
0x45: {  	_ =	shalt  }
0x46: {  	_ =	shalt  }
0x47: {  	_ =	shalt  }
0x48: {  	_ =	shalt  }
0x49: {  	_ =	shalt  }
0x4a: {  	_ =	shalt  }
0x4b: {  	_ =	shalt  }
0x4c: {  	_ =	shalt  }
0x4d: {  	_ =	shalt  }
0x4e: {  	_ =	shalt  }
0x4f: {  	_ =	shalt  }
0x50: {  	_ =	shalt  }
0x51: {  	_ =	shalt  }
0x52: {  	_ =	shalt  }
0x53: {  	_ =	shalt  }
0x54: {  	_ =	shalt  }
0x55: {  	_ =	shalt  }
0x56: {  	_ =	shalt  }
0x57: {  	_ =	shalt  }
0x58: {  	_ =	shalt  }
0x59: {  	_ =	shalt  }
0x5a: {  	_ =	shalt  }
0x5b: {  	_ =	shalt  }
0x5c: {  	_ =	shalt  }
0x5d: {  	_ =	shalt  }
0x5e: {  	_ =	shalt  }
0x5f: {  	_ =	shalt  }
0x60: {  	_ =	shalt  }
0x61: {  	_ =	shalt  }
0x62: {  	_ =	shalt  }
0x63: {  	_ =	shalt  }
0x64: {  	_ =	shalt  }
0x65: {  	_ =	shalt  }
0x66: {  	_ =	shalt  }
0x67: {  	_ =	shalt  }
0x68: {  	_ =	shalt  }
0x69: {  	_ =	shalt  }
0x6a: {  	_ =	shalt  }
0x6b: {  	_ =	shalt  }
0x6c: {  	_ =	shalt  }
0x6d: {  	_ =	shalt  }
0x6e: {  	_ =	shalt  }
0x6f: {  	_ =	shalt  }
0x70: {  	_ =	shalt  }
0x71: {  	_ =	shalt  }
0x72: {  	_ =	shalt  }
0x73: {  	_ =	shalt  }
0x74: {  	_ =	shalt  }
0x75: {  	_ =	shalt  }
0x76: {  	_ =	shalt  }
0x77: {  	_ =	shalt  }
0x78: {  	_ =	shalt  }
0x79: {  	_ =	shalt  }
0x7a: {  	_ =	shalt  }
0x7b: {  	_ =	shalt  }
0x7c: {  	_ =	shalt  }
0x7d: {  	_ =	shalt  }
0x7e: {  	_ =	shalt  }
0x7f: {  	_ =	shalt  }
0x80: {  	_ =	shalt  }
0x81: {  	_ =	shalt  }
0x82: {  	_ =	shalt  }
0x83: {  	_ =	shalt  }
0x84: {  	_ =	shalt  }
0x85: {  	_ =	shalt  }
0x86: {  	_ =	shalt  }
0x87: {  	_ =	shalt  }
.Lfunc_end0:
.L_simem_size_0:
called_computation.3_lowered:
.L_overlay_start_0:
0x88: {  	s2 =	sld [smem:$0x3FD9]  }
0x89: {  	s3 =	sld [smem:$0x3FFE];
	_ =	sdelay $0x1  }
0x8a: {  	s1 =	srdreg.scid  }
0x8b: {  	s0 =	sand.u32 $0x1, s1  }
0x8c: {  	s16 =	sshll.u32 s0, $0xA;
	s2 =	sadd.s32 s3, s2  }
0x8d: {  	s2 =	sadd.s32 s2, s16  }
0x8e: {  	[smem:$0x3FBD] =	sst s2  }
0x8f: {  	_ = 	snop  }
0x90: {  	(tm) =	ssettm $0x1  }
0x91: {  	s17 =	sld [smem:$0x3FFB];
	_ =	sdelay $0x3  }
0x92: {  	_ =	strace s17  }
0x93: {  	s2 =	sld [smem:$0x3FFC];
	_ =	sdelay $0x3  }
0x94: {  	_ =	strace s2  }
0x95: {  	s2 =	sld [smem:$0x3FFD];
	_ =	sdelay $0x3  }
0x96: {  	_ =	strace s2  }
0x97: {  	_ =	strace $0x8FFFFFFF  }
0x98: {  	s18 =	sld [smem:$0x3FDB];
	_ =	sdelay $0x1  }
0x99: {  	s19 =	simm.s32 $_scs_section_size  }
0x9a: {  	s4 =	simm.s32 $_size__tile_overlayer_lowered;
	s5 =	simm.s32 $_tile_overlayer_lowered  }
0x9b: {  	s22 =	simm.s32 $0x1BFF;
	s21 =	sshll.u32 s5, $0x1;
	s2 =	sadd.s32 s19, s18  }
0x9c: {  	s6 =	simm.s32 $0x0;
	s20 =	sshll.u32 s4, $0x1;
	s4 =	sadd.s32 s21, s2  }
0x9d: {  	[timem:s6], [sflag:s22] =	dma.local [hbm:s4], s20  }
0x9e: {  	_ =	swait.ge [sflag:s22], s20  }
0x9f: {  	s3 =	ssub.s32 $0x0, s20;
	[sflag:s22] =	ssyncset.done $0x0  }
0xa0: {  	[sflag:s22] =	ssyncadd.s32 s3;
	_ =	sdelay $0x1  }
0xa1: {  	s23 =	simm.s32 $0x1B8B  }
0xa2: {  	_ =	swait.ge [sflag:s23], $0x1  }
0xa3: {  	[sflag:s23] =	ssyncset.done $0x0  }
0xa4: {  	s25 =	simm.s32 $0x1B8E;
	s24 =	sld [smem:$0x3FFE];
	[sflag:s23] =	ssyncadd.s32 $0xFFFFFFFF  }
0xa5: {  	s26 =	simm.s32 $execute0_lowered;
	[smem:$0x3FD2] =	sst s25  }
0xa6: {  	s4 =	sshll.u32 s26, $0x1;
	_ =	strace $0x8000004F;
	[dreg:$0x1] =	wrdreg $0xFFFFFFFF  }
0xa7: {  	s28 =	simm.s32 $_size_execute0_lowered;
	s2 =	sadd.s32 s2, s4;
	[dreg:$0x0] =	wrdreg $0x0  }
0xa8: {  	s4 =	sshll.u32 s28, $0x1;
	[dreg:$0x2] =	wrdreg s2  }
0xa9: {  	[dreg:$0x3] =	wrdreg s4  }
0xaa: {  	[dreg:$0x4] =	wrdreg $0xC0  }
0xab: {  	_ =	task [dreg:s6], $0x5FFFF  }
0xac: {  	[dreg:$0x1] =	wrdreg $0xFFFFFFFF  }
0xad: {  	[dreg:$0x0] =	wrdreg $0x60  }
0xae: {  	[dreg:$0x2] =	wrdreg s24  }
0xaf: {  	[dreg:$0x3] =	wrdreg $0x29000  }
0xb0: {  	[dreg:$0x4] =	wrdreg $0x9  }
0xb1: {  	_ =	task.clear_ibuf [dreg:s6], $0x5FFFF;
	_ =	strace $0x9000004F  }
0xb2: {  	s29 =	simm.s32 $0x9;
	_ =	strace $0x80000051  }
0xb3: {  	_ =	swait.ge [sflag:s29], $0x1  }
0xb4: {  	[sflag:s29] =	ssyncadd.s32 $0xFFFFFFFF  }
0xb5: {  	_ =	strace $0x90000051  }
0xb6: {  	_ =	sfence  }
0xb7: {  	s30 =	sld [smem:$0x0];
	_ =	sdelay $0x2  }
0xb8: {  	s31 =	sshll.u32 s1, $0xD;
	s1 =	sshrl.u32 s1, $0x2  }
0xb9: {  	s3 =	sand.u32 $0x4000, s31;
	s1 =	sadd.s32 s1, s30  }
0xba: {  	s0 =	sor.u32 s3, s0;
	s1 =	sshll.u32 s1, $0x11  }
0xbb: {  	s0 =	sor.u32 s1, s0  }
0xbc: {  	s0 =	sadd.s32 $0x8F2B, s0  }
0xbd: {  	[sflag:s0] =	ssyncadd.remote.s32 $0x1  }
0xbe: {  	_ =	sfence.sel $0xFFFF  }
0xbf: {  	[dreg:$0x0] =	wrdreg $0xFFFFFFFF;
	(pc) =	sbr.abs _section_cstart, $3  }
0xc0: {  	[dreg:$0x1] =	wrdreg $0xFFFFFFFF  }
0xc1: {  	_ =	task.clear_ibuf [dreg:s6], $0x2FFFF;
	_ =	strace $0x9FFFFFFF  }
0xc2: {  	(tm) =	ssettm $0x7FFFFFFF  }
0xc3: {  	_ =	shalt  }
tec
execute0_lowered:
.L_overlay_start_1:
0x0: {  	(tag) =	ssettag $0x1  }
0x1: {  	s6 =	rddreg [dreg:$0x0];
	s0 =	srdreg.scid  }
0x2: {  	s2 =	rddreg [dreg:$0x1];
	s1 =	stileid.u32  }
0x3: {  	s3 =	simm.s32 $0x0;
	s15 =	simm.s32 $0x80;
	s16 =	simm.s32 $0x50  }
0x4: {  	s17 =	simm.s32 $0x100;
	s18 =	simm.s32 $0x1;
	s7 =	smul.u32 $0x2710, s1  }
0x5: {  	s5 =	sand.u32 $0x1, s0;
	s0 =	rddreg [dreg:$0x2];
	s8 =	smul.u32 $0x4E000, s1  }
0x6: {  	s19 =	simm.s32 $0x0;
	[smem:$0x7FF] =	sst s3;
	s11 =	smul.u32 $0x13800, s1  }
0x7: {  	s12 =	sadd.s32 $0x40600, s6;
	p0 =	seq.s32 s1, $0xF;
	s4 =	smul.u32 $0x27100, s5  }
0x8: {  	_ =	strace $0x80000050;
	s9 =	smul.u32 $0x138800, s5;
	s25 =	ssub.s32 $0x2, s5  }
0x9: {  	s5 =	sadd.s32 $0x3DE00, s6;
	s26 =	sshrl.u32 s25, $0x1;
	s28 =	sshrl.u32 s8, $0x2  }
0xa: {  	s7 =	sadd.s32 s7, s4;
	s4 =	sadd.s32 $0x16C00, s6;
	s13 =	ssub.s32 s25, s26  }
0xb: {  	s29 =	sadd.s32 s11, s9;
	s14 =	sadd.s32 s28, s2;
	s31 =	sshrl.u32 s9, $0x3  }
0xc: {  	s11 =	sadd.s32 $0x124800, s2;
	s7 =	sshrl.u32 s7, $0x3;
	s30 =	sshrl.u32 s29, $0x3  }
0xd: {  	s8 =	smax.u32 s13, $0x1;
	s11 =	sshrl.u32 @p0 s11, $0x3;
	s13 =	sshrl.u32 @!p0 s14, $0x3  }
0xe: {  	s14 =	simm.s32 $0x2;
	s10 =	sadd.s32 s7, s6;
	s7 =	sadd.s32 s12, s31  }
0xf: {  	s6 =	sadd.s32 s12, s30;
	s12 =	sshll.u32 @!p0 s1, $0x6;
	s7 =	sadd.s32 $0x24900, s7  }
0x10: {  	s9 =	sadd.s32 $0xCE00, s10;
	s10 =	sadd.s32 $0x3000, s10;
	s12 =	sor.u32 @!p0 $0x1C02, s12  }
.LBB2_1:
0x11: {  	s20 =	simm.s32 @p0 $0x1FC2  }
0x12: {  	[spmem:s11], [sflag:s20] =	dma.local @p0 [hbm:s5], $0x2800  }
0x13: {  	s20 =	simm.s32 @p0 $0x2  }
0x14: {  	_ =	swait.ge @p0 [sflag:s20], $0x2800  }
0x15: {  	[sflag:s20] =	ssyncset.done @p0 $0x0  }
0x16: {  	[sflag:s20] =	ssyncadd.s32 @p0 $0xFFFFD800;
	s20 =	simm.s32 @!p0 $0x2  }
0x17: {  	[spmem:s13], [sflag:s12] =	dma.local @!p0 [hbm:s5], $0x2700  }
0x18: {  	_ =	swait.ge @!p0 [sflag:s20], $0x2700  }
0x19: {  	[sflag:s20] =	ssyncset.done @!p0 $0x0  }
0x1a: {  	[sflag:s20] =	ssyncadd.s32 @!p0 $0xFFFFD900  }
0x1b: {  	s30 =	sadd.s32 $0x0, s10;
	[bflag:$0x0] =	sbarrier.arrive $0xFFFF  }
0x1c: {  	[tilespmem:s3], [sflag:$0x2] =	stream.linear.gather [hbm4b:s30+s3], $0x50, $0x38;
	[tilespmem:$0x16180] =	vst v63  }
0x1d: {  	_ =	swait.ge [sflag:s14], $0x50  }
0x1e: {  	[sflag:s14] =	ssyncset.done $0x0  }
0x1f: {  	s31 =	sadd.s32 $0x0, s9;
	[sflag:s14] =	ssyncadd.s32 $0xFFFFFFB0  }
0x20: {  	[tilespmem:s15], [sflag:$0x2] =	stream.linear.gather [hbm4b:s31+s3], $0x50, $0x38;
	[tilespmem:$0x16180] =	vst v63  }
0x21: {  	_ =	swait.ge [sflag:s14], $0x50  }
0x22: {  	[sflag:s14] =	ssyncset.done $0x0  }
0x23: {  	[sflag:s14] =	ssyncadd.s32 $0xFFFFFFB0  }
0x24: {  	[tilespmem:s17], [sflag:$0x1] =	stream.indirect.gather [hbm4b:s4+s16], $0x80, s3, s16, $0xb8;
	[tilespmem:$0x16180] =	vst v63  }
0x25: {  	_ =	swait.ge [sflag:s18], $0x2800  }
0x26: {  	[sflag:s18] =	ssyncset.done $0x0  }
0x27: {  	[sflag:s18] =	ssyncadd.s32 $0xFFFFD800  }
0x28: {  	[spmem:s2] =	stream.indirect.scatter.add.f32 [tilespmem:s17], [sflag:$0x2], $0x80, s15, s16, $0xb8;
	[tilespmem:$0x16180] =	vst v63  }
0x29: {  	_ =	swait.ge [sflag:s14], $0x2800  }
0x2a: {  	s21 =	simm.s32 $0x14;
	s20 =	simm.s32 $0xA;
	[sflag:s14] =	ssyncset.done $0x0  }
.LBB2_2:
0x2b: {  	s22 =	sadd.s32 s20, s10  }
0x2c: {  	[sflag:s14] =	ssyncadd.s32 $0xFFFFD800;
	s23 =	smov.u32 s21;
	s24 =	sadd.s32 $0xA, s21  }
0x2d: {  	[tilespmem:s3], [sflag:$0x2] =	stream.linear.gather [hbm4b:s22+s3], $0x50, $0x38;
	[tilespmem:$0x16180] =	vst v63  }
0x2e: {  	p1 =	sne.s32 s21, $0x4D8;
	_ =	swait.ge [sflag:s14], $0x50  }
0x2f: {  	[sflag:s14] =	ssyncset.done $0x0  }
0x30: {  	s21 =	sadd.s32 s20, s9;
	s20 =	smov.u32 s23;
	[sflag:s14] =	ssyncadd.s32 $0xFFFFFFB0  }
0x31: {  	[tilespmem:s15], [sflag:$0x2] =	stream.linear.gather [hbm4b:s21+s3], $0x50, $0x38;
	[tilespmem:$0x16180] =	vst v63  }
0x32: {  	_ =	swait.ge [sflag:s14], $0x50  }
0x33: {  	[sflag:s14] =	ssyncset.done $0x0  }
0x34: {  	[sflag:s14] =	ssyncadd.s32 $0xFFFFFFB0  }
0x35: {  	[tilespmem:s17], [sflag:$0x1] =	stream.indirect.gather [hbm4b:s4+s16], $0x80, s3, s16, $0xb8;
	[tilespmem:$0x16180] =	vst v63  }
0x36: {  	_ =	swait.ge [sflag:s18], $0x2800  }
.Ltmp0:
0x37: {  	[sflag:s18] =	ssyncset.done $0x0;
	(pc) =	sbr.rel @p1 .LBB2_2-.Ltmp0, $4  }
0x38: {  	[sflag:s18] =	ssyncadd.s32 $0xFFFFD800  }
0x39: {  	[spmem:s2] =	stream.indirect.scatter.add.f32 [tilespmem:s17], [sflag:$0x2], $0x80, s15, s16, $0xb8;
	[tilespmem:$0x16180] =	vst v63  }
0x3a: {  	_ =	swait.ge [sflag:s14], $0x2800  }
0x3b: {  	s21 =	smov.u32 s24;
	[sflag:s14] =	ssyncset.done $0x0  }
0x3c: {  	s21 =	sadd.s32 s20, s10;
	[sflag:s14] =	ssyncadd.s32 $0xFFFFD800  }
0x3d: {  	[tilespmem:s3], [sflag:$0x2] =	stream.linear.gather [hbm4b:s21+s3], $0x50, $0x38;
	[tilespmem:$0x16180] =	vst v63  }
0x3e: {  	_ =	swait.ge [sflag:s14], $0x50  }
0x3f: {  	[sflag:s14] =	ssyncset.done $0x0  }
0x40: {  	s31 =	sadd.s32 s20, s9;
	[sflag:s14] =	ssyncadd.s32 $0xFFFFFFB0  }
0x41: {  	[tilespmem:s15], [sflag:$0x2] =	stream.linear.gather [hbm4b:s31+s3], $0x50, $0x38;
	[tilespmem:$0x16180] =	vst v63  }
0x42: {  	_ =	swait.ge [sflag:s14], $0x50  }
0x43: {  	[sflag:s14] =	ssyncset.done $0x0  }
0x44: {  	[sflag:s14] =	ssyncadd.s32 $0xFFFFFFB0  }
0x45: {  	[tilespmem:s17], [sflag:$0x1] =	stream.indirect.gather [hbm4b:s4+s16], $0x80, s3, s16, $0xb8;
	[tilespmem:$0x16180] =	vst v63  }
0x46: {  	_ =	swait.ge [sflag:s18], $0x2800  }
0x47: {  	[sflag:s18] =	ssyncset.done $0x0  }
0x48: {  	[sflag:s18] =	ssyncadd.s32 $0xFFFFD800  }
0x49: {  	[spmem:s2] =	stream.indirect.scatter.add.f32 [tilespmem:s17], [sflag:$0x2], $0x80, s15, s16, $0xb8;
	[tilespmem:$0x16180] =	vst v63  }
0x4a: {  	_ =	swait.ge [sflag:s14], $0x2800  }
0x4b: {  	[sflag:s14] =	ssyncset.done $0x0  }
0x4c: {  	[sflag:s14] =	ssyncadd.s32 $0xFFFFD800  }
0x4d: {  	s20 =	simm.s32 @p0 $0x1FC2;
	[bflag:$0x0] =	sbarrier.arrive $0xFFFF  }
0x4e: {  	[hbm:s7], [sflag:s20] =	dma.local @p0 [spmem:s11], $0x2800  }
0x4f: {  	s20 =	simm.s32 @p0 $0x2  }
0x50: {  	s19 =	sadd.s32 $0x1, s19;
	_ =	swait.ge @p0 [sflag:s20], $0x2800  }
0x51: {  	p1 =	sne.s32 s19, s8;
	[sflag:s20] =	ssyncset.done @p0 $0x0  }
.Ltmp1:
0x52: {  	[sflag:s20] =	ssyncadd.s32 @p0 $0xFFFFD800;
	s20 =	simm.s32 @!p0 $0x2;
	(pc) =	sbr.rel @p1 .LBB2_1-.Ltmp1, $4  }
0x53: {  	[hbm:s6], [sflag:s12] =	dma.local @!p0 [spmem:s13], $0x2700  }
0x54: {  	_ =	swait.ge @!p0 [sflag:s20], $0x2700  }
0x55: {  	[sflag:s20] =	ssyncset.done @!p0 $0x0  }
0x56: {  	[sflag:s20] =	ssyncadd.s32 @!p0 $0xFFFFD900  }
0x57: {  	_ =	sfence.sel $0x180000  }
0x58: {  	[bflag:$0x0] =	sbarrier.arrive $0xFFFF  }
0x59: {  	p0 =	sne.s32 s1, $0x0;
	_ =	strace $0x90000050  }
0x5a: {  	s0 =	sadd.s32 @!p0 $0x100000, s0;
	[bflag:$0x2] =	sbarrier.arrive $0xFFFF  }
0x5b: {  	[sflag:s0] =	ssyncadd.tile.s32 @!p0 $0x1;
	_ =	shalt  }
.Lfunc_end2:
_tile_overlayer_lowered:
.L_overlay_start_2:
0x5c: {  	(tag) =	ssettag $0x2  }
0x5d: {  	s0 =	rddreg [dreg:$0x0];
	s2 =	stileid.u32  }
0x5e: {  	s1 =	rddreg [dreg:$0x1];
	p0 =	sne.s32 s2, $0x0  }
0x5f: {  	s3 =	rddreg [dreg:$0x2];
	[bflag:$0x3] =	sbarrier.arrive $0xFFFF;
	s2 =	simm.s32 @!p0 $0x1C02  }
0x60: {  	[timem:s3], [sflag:s2] =	dma.local @!p0 [hbm:s0], s1  }
0x61: {  	s0 =	simm.s32 @!p0 $0x2  }
0x62: {  	_ =	swait.ge @!p0 [sflag:s0], s1  }
0x63: {  	s1 =	ssub.s32 @!p0 $0x0, s1;
	[sflag:s0] =	ssyncset.done @!p0 $0x0  }
0x64: {  	[sflag:s0] =	ssyncadd.s32 @!p0 s1  }
0x65: {  	[bflag:$0x3] =	sbarrier.arrive $0xFFFF  }
0x66: {  	_ =	shalt  }

</sc_bundles>
